<compile_context>
chip_gen: v7x
topology: tpu7x:2x2x1
jax: 0.10.2.dev20260603
libtpu: 0.0.44.dev20260713+nightly
codegen_flags: <defaults>
</compile_context>

<pallas_src>
import functools

import jax
import jax.numpy as jnp
from jax import lax
from jax.experimental import pallas as pl
from jax.experimental.pallas import tpu as pltpu
from jax.experimental.pallas import tpu_sc as plsc

NUM_INPUT_NODES = 65536
NUM_PROD = 32768
N_EDGES = 16
BATCH = 256
LANES = 16

NC, NS = 2, 16
NW = NC * NS
NODES_PER_W = NUM_PROD // NW
C = 8
CHUNKS = NODES_PER_W // C


def _body(node_hbm, elem_hbm, cids_hbm, out_hbm, idx_v, rows_v, out_v, row_v, sem):
    wid = lax.axis_index("s") * NC + lax.axis_index("c")
    node_base = wid * NODES_PER_W

    def chunk(k, carry):
        node0 = node_base + k * C
        pltpu.sync_copy(cids_hbm.at[pl.ds(node0 * N_EDGES, C * N_EDGES)], idx_v)
        pltpu.async_copy(node_hbm.at[idx_v], rows_v, sem).wait()

        def per_node(c, carry2):
            r0 = c * N_EDGES
            for j in range(BATCH // LANES):
                acc = rows_v[r0, pl.ds(j * LANES, LANES)]
                for e in range(1, N_EDGES):
                    acc = acc + rows_v[r0 + e, pl.ds(j * LANES, LANES)]
                out_v[c, pl.ds(j * LANES, LANES)] = acc
            return carry2

        lax.fori_loop(0, C, per_node, 0)
        pltpu.sync_copy(out_v, out_hbm.at[pl.ds(node0, C)])
        return carry

    lax.fori_loop(0, CHUNKS, chunk, 0)

    @pl.when(wid == 0)
    def _():
        pltpu.sync_copy(elem_hbm.at[pl.ds(NUM_PROD, 1)], row_v)
        pltpu.sync_copy(row_v, out_hbm.at[pl.ds(NUM_PROD, 1)])


def kernel(node_mars, element_mars, nids, cids):
    del nids
    cids_flat = cids.reshape(-1)
    mesh = plsc.VectorSubcoreMesh(core_axis_name="c", subcore_axis_name="s")
    f = functools.partial(
        pl.kernel,
        out_type=jax.ShapeDtypeStruct(element_mars.shape, element_mars.dtype),
        mesh=mesh,
        scratch_types=[
            pltpu.VMEM((C * N_EDGES,), jnp.int32),
            pltpu.VMEM((C * N_EDGES, BATCH), jnp.float32),
            pltpu.VMEM((C, BATCH), jnp.float32),
            pltpu.VMEM((1, BATCH), jnp.float32),
            pltpu.SemaphoreType.DMA,
        ],
    )(_body)
    return f(node_mars, element_mars, cids_flat)

# --- scband reference (transcript-rebuilt; emitter-appended) ---
"""Pipeline reference for scband-prod-layer-53197464928750 (READ-ONLY COPY).

The authoritative reference and input builder live on the scoring server;
editing this copy changes nothing except your own understanding.
"""

import jax, jax.numpy as jnp
import numpy as np

NUM_INPUT_NODES = 65536
NUM_PROD_NODES = 32768
N_EDGES = 16
MAX_NUM_ELS = 32769
BATCH = 256


def setup_inputs(seed: int = 0) -> dict:
    key = jax.random.key(seed)
    k1, k2 = jax.random.split(key)
    node_mars = jax.random.normal(k1, (NUM_INPUT_NODES, BATCH), dtype=jnp.float32)
    element_mars = jnp.zeros((MAX_NUM_ELS, BATCH), dtype=jnp.float32)
    # nids: destination rows in element_mars for each product node (unique, in-range)
    nids = jnp.arange(NUM_PROD_NODES, dtype=jnp.int32)
    # cids: child node indices into node_mars, n_edges children per product node
    cids = jax.random.randint(k2, (NUM_PROD_NODES, N_EDGES), 0, NUM_INPUT_NODES, dtype=jnp.int32)
    return {"node_mars": node_mars, "element_mars": element_mars, "nids": nids, "cids": cids}


def reference(node_mars, element_mars, nids, cids):
    # ProdLayer.forward: element_mars[nids] = node_mars[cids].sum(dim=1)
    # (log-space product of children = sum of child log-marginals)
    gathered = jnp.take(node_mars, cids, axis=0)       # [num_prod_nodes, n_edges, B]
    summed = gathered.sum(axis=1)                      # [num_prod_nodes, B]
    out = element_mars.at[nids].set(summed)            # scatter-overwrite
    return out

if __name__ == "__main__":
    import jax
    _d = setup_inputs()
    print(jax.jit(kernel)(*tuple(_d.values())))

</pallas_src>

<mosaic_0001>
#map = affine_map<(d0, d1) -> (0, 0)>
#map1 = affine_map<(d0, d1) -> (0)>
module attributes {stable_mosaic.version = 14 : i64} {
  func.func @_body(%arg0: i32, %arg1: i32, %arg2: memref<65536x256xf32, #tpu.memory_space<hbm>>, %arg3: memref<32769x256xf32, #tpu.memory_space<hbm>>, %arg4: memref<524288xi32, #tpu.memory_space<hbm>>, %arg5: memref<32769x256xf32, #tpu.memory_space<hbm>>, %arg6: memref<128xi32, #tpu.memory_space<vmem>>, %arg7: memref<128x256xf32, #tpu.memory_space<vmem>>, %arg8: memref<8x256xf32, #tpu.memory_space<vmem>>, %arg9: memref<1x256xf32, #tpu.memory_space<vmem>>, %arg10: memref<!tpu.dma_semaphore, #tpu.memory_space<semaphore_mem>>) attributes {dimension_semantics = [#tpu.dimension_semantics<core_parallel>, #tpu.dimension_semantics<subcore_parallel>], iteration_bounds = array<i64: 2, 16>, scalar_prefetch = 0 : i64, scratch_operands = 5 : i64, tpu.core_type = #tpu.core_type<sc_vector_subcore>, window_params = [{transform_indices = #map}, {transform_indices = #map}, {transform_indices = #map1}, {transform_indices = #map}]} {
    %mul3A = arith.constant 2 : i32
    %mul3A_0 = arith.muli %arg1, %mul3A : i32
    %add3A = arith.addi %mul3A_0, %arg0 : i32
    %mul3A_1 = arith.constant 1024 : i32
    %mul3A_2 = arith.muli %add3A, %mul3A_1 : i32
    %scan3A = arith.constant 0 : i32
    %scan3A_3 = arith.constant 0 : i32
    %scan3A_4 = arith.constant 128 : i32
    %scan3A_5 = arith.addi %scan3A_3, %scan3A_4 : i32
    %scan3A_6 = arith.constant 1 : i32
    scf.for %scan3A_10 = %scan3A_3 to %scan3A_5 step %scan3A_6  : i32 {
      %mul3A_11 = arith.constant 8 : i32
      %mul3A_12 = arith.muli %scan3A_10, %mul3A_11 : i32
      %add3A_13 = arith.addi %mul3A_2, %mul3A_12 : i32
      %mul3A_14 = arith.constant 16 : i32
      %mul3A_15 = arith.muli %add3A_13, %mul3A_14 : i32
      "tpu.region"() ({
        %run_scoped3A = tpu.sem_alloc : memref<!tpu.dma_semaphore, #tpu.memory_space<semaphore_mem>>
        %dma_start3A_26 = tpu.memref_slice %arg4[%mul3A_15] : memref<524288xi32, #tpu.memory_space<hbm>> -> memref<128xi32, #tpu.memory_space<hbm>>
        %dma_start3A_27 = tpu.memref_slice %arg4[%mul3A_15] : memref<524288xi32, #tpu.memory_space<hbm>> -> memref<128xi32, #tpu.memory_space<hbm>>
        tpu.enqueue_dma source(%dma_start3A_27 : memref<128xi32, #tpu.memory_space<hbm>>) target(%arg6 : memref<128xi32, #tpu.memory_space<vmem>>) target_semaphore(%run_scoped3A : memref<!tpu.dma_semaphore, #tpu.memory_space<semaphore_mem>>)
        %dma_wait3A_28 = tpu.memref_slice %arg4[%mul3A_15] : memref<524288xi32, #tpu.memory_space<hbm>> -> memref<128xi32, #tpu.memory_space<hbm>>
        %dma_wait3A_29 = tpu.memref_slice %arg4[%mul3A_15] : memref<524288xi32, #tpu.memory_space<hbm>> -> memref<128xi32, #tpu.memory_space<hbm>>
        tpu.wait_dma2 semaphore(%run_scoped3A : memref<!tpu.dma_semaphore, #tpu.memory_space<semaphore_mem>>) src(%dma_wait3A_29 : memref<128xi32, #tpu.memory_space<hbm>>) dst(%arg6 : memref<128xi32, #tpu.memory_space<vmem>>)
        tpu.yield
      }) : () -> ()
      %dma_start3A = arith.constant 0 : i32
      %dma_start3A_16 = arith.constant 0 : i32
      %dma_start3A_17 = tpu.memref_slice %arg2[%dma_start3A, %dma_start3A_16] : memref<65536x256xf32, #tpu.memory_space<hbm>> -> memref<65536x256xf32, #tpu.memory_space<hbm>>
      tpu.enqueue_indirect_dma source(%dma_start3A_17 : memref<65536x256xf32, #tpu.memory_space<hbm>>) target(%arg7 : memref<128x256xf32, #tpu.memory_space<vmem>>) offsets(%arg6 : memref<128xi32, #tpu.memory_space<vmem>>) semaphore(%arg10 : memref<!tpu.dma_semaphore, #tpu.memory_space<semaphore_mem>>)
      %dma_wait3A = arith.constant 0 : i32
      %dma_wait3A_18 = arith.constant 0 : i32
      %dma_wait3A_19 = tpu.memref_slice %arg2[%dma_wait3A, %dma_wait3A_18] : memref<65536x256xf32, #tpu.memory_space<hbm>> -> memref<65536x256xf32, #tpu.memory_space<hbm>>
      tpu.wait_indirect_dma semaphore(%arg10 : memref<!tpu.dma_semaphore, #tpu.memory_space<semaphore_mem>>) src(%dma_wait3A_19 : memref<65536x256xf32, #tpu.memory_space<hbm>>) dst(%arg7 : memref<128x256xf32, #tpu.memory_space<vmem>>)
      %scan3A_20 = arith.constant 0 : i32
      %scan3A_21 = arith.constant 0 : i32
      %scan3A_22 = arith.constant 8 : i32
      %scan3A_23 = arith.addi %scan3A_21, %scan3A_22 : i32
      %scan3A_24 = arith.constant 1 : i32
      scf.for %scan3A_26 = %scan3A_21 to %scan3A_23 step %scan3A_24  : i32 {
        %mul3A_27 = arith.constant 16 : i32
        %mul3A_28 = arith.muli %scan3A_26, %mul3A_27 : i32
        %get3A = arith.index_cast %mul3A_28 : i32 to index
        %get3A_29 = arith.constant 0 : index
        %get3A_30 = tpu.vector_load %arg7[%get3A, %get3A_29] {strides = array<i32>} : memref<128x256xf32, #tpu.memory_space<vmem>>, vector<1x16xf32>,
        %get3A_31 = vector.shape_cast %get3A_30 : vector<1x16xf32> to vector<16xf32>
        %add3A_32 = arith.constant 1 : i32
        %add3A_33 = arith.addi %mul3A_28, %add3A_32 : i32
        %get3A_34 = arith.index_cast %add3A_33 : i32 to index
        %get3A_35 = arith.constant 0 : index
        %get3A_36 = tpu.vector_load %arg7[%get3A_34, %get3A_35] {strides = array<i32>} : memref<128x256xf32, #tpu.memory_space<vmem>>, vector<1x16xf32>,
        %get3A_37 = vector.shape_cast %get3A_36 : vector<1x16xf32> to vector<16xf32>
        %add3A_38 = arith.addf %get3A_31, %get3A_37 : vector<16xf32>
        %add3A_39 = arith.constant 2 : i32
        %add3A_40 = arith.addi %mul3A_28, %add3A_39 : i32
        %get3A_41 = arith.index_cast %add3A_40 : i32 to index
        %get3A_42 = arith.constant 0 : index
        %get3A_43 = tpu.vector_load %arg7[%get3A_41, %get3A_42] {strides = array<i32>} : memref<128x256xf32, #tpu.memory_space<vmem>>, vector<1x16xf32>,
        %get3A_44 = vector.shape_cast %get3A_43 : vector<1x16xf32> to vector<16xf32>
        %add3A_45 = arith.addf %add3A_38, %get3A_44 : vector<16xf32>
        %add3A_46 = arith.constant 3 : i32
        %add3A_47 = arith.addi %mul3A_28, %add3A_46 : i32
        %get3A_48 = arith.index_cast %add3A_47 : i32 to index
        %get3A_49 = arith.constant 0 : index
        %get3A_50 = tpu.vector_load %arg7[%get3A_48, %get3A_49] {strides = array<i32>} : memref<128x256xf32, #tpu.memory_space<vmem>>, vector<1x16xf32>,
        %get3A_51 = vector.shape_cast %get3A_50 : vector<1x16xf32> to vector<16xf32>
        %add3A_52 = arith.addf %add3A_45, %get3A_51 : vector<16xf32>
        %add3A_53 = arith.constant 4 : i32
        %add3A_54 = arith.addi %mul3A_28, %add3A_53 : i32
        %get3A_55 = arith.index_cast %add3A_54 : i32 to index
        %get3A_56 = arith.constant 0 : index
        %get3A_57 = tpu.vector_load %arg7[%get3A_55, %get3A_56] {strides = array<i32>} : memref<128x256xf32, #tpu.memory_space<vmem>>, vector<1x16xf32>,
        %get3A_58 = vector.shape_cast %get3A_57 : vector<1x16xf32> to vector<16xf32>
        %add3A_59 = arith.addf %add3A_52, %get3A_58 : vector<16xf32>
        %add3A_60 = arith.constant 5 : i32
        %add3A_61 = arith.addi %mul3A_28, %add3A_60 : i32
        %get3A_62 = arith.index_cast %add3A_61 : i32 to index
        %get3A_63 = arith.constant 0 : index
        %get3A_64 = tpu.vector_load %arg7[%get3A_62, %get3A_63] {strides = array<i32>} : memref<128x256xf32, #tpu.memory_space<vmem>>, vector<1x16xf32>,
        %get3A_65 = vector.shape_cast %get3A_64 : vector<1x16xf32> to vector<16xf32>
        %add3A_66 = arith.addf %add3A_59, %get3A_65 : vector<16xf32>
        %add3A_67 = arith.constant 6 : i32
        %add3A_68 = arith.addi %mul3A_28, %add3A_67 : i32
        %get3A_69 = arith.index_cast %add3A_68 : i32 to index
        %get3A_70 = arith.constant 0 : index
        %get3A_71 = tpu.vector_load %arg7[%get3A_69, %get3A_70] {strides = array<i32>} : memref<128x256xf32, #tpu.memory_space<vmem>>, vector<1x16xf32>,
        %get3A_72 = vector.shape_cast %get3A_71 : vector<1x16xf32> to vector<16xf32>
        %add3A_73 = arith.addf %add3A_66, %get3A_72 : vector<16xf32>
        %add3A_74 = arith.constant 7 : i32
        %add3A_75 = arith.addi %mul3A_28, %add3A_74 : i32
        %get3A_76 = arith.index_cast %add3A_75 : i32 to index
        %get3A_77 = arith.constant 0 : index
        %get3A_78 = tpu.vector_load %arg7[%get3A_76, %get3A_77] {strides = array<i32>} : memref<128x256xf32, #tpu.memory_space<vmem>>, vector<1x16xf32>,
        %get3A_79 = vector.shape_cast %get3A_78 : vector<1x16xf32> to vector<16xf32>
        %add3A_80 = arith.addf %add3A_73, %get3A_79 : vector<16xf32>
        %add3A_81 = arith.constant 8 : i32
        %add3A_82 = arith.addi %mul3A_28, %add3A_81 : i32
        %get3A_83 = arith.index_cast %add3A_82 : i32 to index
        %get3A_84 = arith.constant 0 : index
        %get3A_85 = tpu.vector_load %arg7[%get3A_83, %get3A_84] {strides = array<i32>} : memref<128x256xf32, #tpu.memory_space<vmem>>, vector<1x16xf32>,
        %get3A_86 = vector.shape_cast %get3A_85 : vector<1x16xf32> to vector<16xf32>
        %add3A_87 = arith.addf %add3A_80, %get3A_86 : vector<16xf32>
        %add3A_88 = arith.constant 9 : i32
        %add3A_89 = arith.addi %mul3A_28, %add3A_88 : i32
        %get3A_90 = arith.index_cast %add3A_89 : i32 to index
        %get3A_91 = arith.constant 0 : index
        %get3A_92 = tpu.vector_load %arg7[%get3A_90, %get3A_91] {strides = array<i32>} : memref<128x256xf32, #tpu.memory_space<vmem>>, vector<1x16xf32>,
        %get3A_93 = vector.shape_cast %get3A_92 : vector<1x16xf32> to vector<16xf32>
        %add3A_94 = arith.addf %add3A_87, %get3A_93 : vector<16xf32>
        %add3A_95 = arith.constant 10 : i32
        %add3A_96 = arith.addi %mul3A_28, %add3A_95 : i32
        %get3A_97 = arith.index_cast %add3A_96 : i32 to index
        %get3A_98 = arith.constant 0 : index
        %get3A_99 = tpu.vector_load %arg7[%get3A_97, %get3A_98] {strides = array<i32>} : memref<128x256xf32, #tpu.memory_space<vmem>>, vector<1x16xf32>,
        %get3A_100 = vector.shape_cast %get3A_99 : vector<1x16xf32> to vector<16xf32>
        %add3A_101 = arith.addf %add3A_94, %get3A_100 : vector<16xf32>
        %add3A_102 = arith.constant 11 : i32
        %add3A_103 = arith.addi %mul3A_28, %add3A_102 : i32
        %get3A_104 = arith.index_cast %add3A_103 : i32 to index
        %get3A_105 = arith.constant 0 : index
        %get3A_106 = tpu.vector_load %arg7[%get3A_104, %get3A_105] {strides = array<i32>} : memref<128x256xf32, #tpu.memory_space<vmem>>, vector<1x16xf32>,
        %get3A_107 = vector.shape_cast %get3A_106 : vector<1x16xf32> to vector<16xf32>
        %add3A_108 = arith.addf %add3A_101, %get3A_107 : vector<16xf32>
        %add3A_109 = arith.constant 12 : i32
        %add3A_110 = arith.addi %mul3A_28, %add3A_109 : i32
        %get3A_111 = arith.index_cast %add3A_110 : i32 to index
        %get3A_112 = arith.constant 0 : index
        %get3A_113 = tpu.vector_load %arg7[%get3A_111, %get3A_112] {strides = array<i32>} : memref<128x256xf32, #tpu.memory_space<vmem>>, vector<1x16xf32>,
        %get3A_114 = vector.shape_cast %get3A_113 : vector<1x16xf32> to vector<16xf32>
        %add3A_115 = arith.addf %add3A_108, %get3A_114 : vector<16xf32>
        %add3A_116 = arith.constant 13 : i32
        %add3A_117 = arith.addi %mul3A_28, %add3A_116 : i32
        %get3A_118 = arith.index_cast %add3A_117 : i32 to index
        %get3A_119 = arith.constant 0 : index
        %get3A_120 = tpu.vector_load %arg7[%get3A_118, %get3A_119] {strides = array<i32>} : memref<128x256xf32, #tpu.memory_space<vmem>>, vector<1x16xf32>,
        %get3A_121 = vector.shape_cast %get3A_120 : vector<1x16xf32> to vector<16xf32>
        %add3A_122 = arith.addf %add3A_115, %get3A_121 : vector<16xf32>
        %add3A_123 = arith.constant 14 : i32
        %add3A_124 = arith.addi %mul3A_28, %add3A_123 : i32
        %get3A_125 = arith.index_cast %add3A_124 : i32 to index
        %get3A_126 = arith.constant 0 : index
        %get3A_127 = tpu.vector_load %arg7[%get3A_125, %get3A_126] {strides = array<i32>} : memref<128x256xf32, #tpu.memory_space<vmem>>, vector<1x16xf32>,
        %get3A_128 = vector.shape_cast %get3A_127 : vector<1x16xf32> to vector<16xf32>
        %add3A_129 = arith.addf %add3A_122, %get3A_128 : vector<16xf32>
        %add3A_130 = arith.constant 15 : i32
        %add3A_131 = arith.addi %mul3A_28, %add3A_130 : i32
        %get3A_132 = arith.index_cast %add3A_131 : i32 to index
        %get3A_133 = arith.constant 0 : index
        %get3A_134 = tpu.vector_load %arg7[%get3A_132, %get3A_133] {strides = array<i32>} : memref<128x256xf32, #tpu.memory_space<vmem>>, vector<1x16xf32>,
        %get3A_135 = vector.shape_cast %get3A_134 : vector<1x16xf32> to vector<16xf32>
        %add3A_136 = arith.addf %add3A_129, %get3A_135 : vector<16xf32>
        %swap3A = arith.index_cast %scan3A_26 : i32 to index
        %swap3A_137 = arith.constant 0 : index
        %swap3A_138 = tpu.vector_load %arg8[%swap3A, %swap3A_137] {strides = array<i32>} : memref<8x256xf32, #tpu.memory_space<vmem>>, vector<1x16xf32>,
        %swap3A_139 = vector.shape_cast %swap3A_138 : vector<1x16xf32> to vector<16xf32>
        %swap3A_140 = vector.shape_cast %add3A_136 : vector<16xf32> to vector<1x16xf32>
        tpu.vector_store %arg8[%swap3A, %swap3A_137], %swap3A_140 {strides = array<i32>} : memref<8x256xf32, #tpu.memory_space<vmem>>, vector<1x16xf32>,
        %get3A_141 = arith.index_cast %mul3A_28 : i32 to index
        %get3A_142 = arith.constant 16 : index
        %get3A_143 = tpu.vector_load %arg7[%get3A_141, %get3A_142] {strides = array<i32>} : memref<128x256xf32, #tpu.memory_space<vmem>>, vector<1x16xf32>,
        %get3A_144 = vector.shape_cast %get3A_143 : vector<1x16xf32> to vector<16xf32>
        %add3A_145 = arith.constant 1 : i32
        %add3A_146 = arith.addi %mul3A_28, %add3A_145 : i32
        %get3A_147 = arith.index_cast %add3A_146 : i32 to index
        %get3A_148 = arith.constant 16 : index
        %get3A_149 = tpu.vector_load %arg7[%get3A_147, %get3A_148] {strides = array<i32>} : memref<128x256xf32, #tpu.memory_space<vmem>>, vector<1x16xf32>,
        %get3A_150 = vector.shape_cast %get3A_149 : vector<1x16xf32> to vector<16xf32>
        %add3A_151 = arith.addf %get3A_144, %get3A_150 : vector<16xf32>
        %add3A_152 = arith.constant 2 : i32
        %add3A_153 = arith.addi %mul3A_28, %add3A_152 : i32
        %get3A_154 = arith.index_cast %add3A_153 : i32 to index
        %get3A_155 = arith.constant 16 : index
        %get3A_156 = tpu.vector_load %arg7[%get3A_154, %get3A_155] {strides = array<i32>} : memref<128x256xf32, #tpu.memory_space<vmem>>, vector<1x16xf32>,
        %get3A_157 = vector.shape_cast %get3A_156 : vector<1x16xf32> to vector<16xf32>
        %add3A_158 = arith.addf %add3A_151, %get3A_157 : vector<16xf32>
        %add3A_159 = arith.constant 3 : i32
        %add3A_160 = arith.addi %mul3A_28, %add3A_159 : i32
        %get3A_161 = arith.index_cast %add3A_160 : i32 to index
        %get3A_162 = arith.constant 16 : index
        %get3A_163 = tpu.vector_load %arg7[%get3A_161, %get3A_162] {strides = array<i32>} : memref<128x256xf32, #tpu.memory_space<vmem>>, vector<1x16xf32>,
        %get3A_164 = vector.shape_cast %get3A_163 : vector<1x16xf32> to vector<16xf32>
        %add3A_165 = arith.addf %add3A_158, %get3A_164 : vector<16xf32>
        %add3A_166 = arith.constant 4 : i32
        %add3A_167 = arith.addi %mul3A_28, %add3A_166 : i32
        %get3A_168 = arith.index_cast %add3A_167 : i32 to index
        %get3A_169 = arith.constant 16 : index
        %get3A_170 = tpu.vector_load %arg7[%get3A_168, %get3A_169] {strides = array<i32>} : memref<128x256xf32, #tpu.memory_space<vmem>>, vector<1x16xf32>,
        %get3A_171 = vector.shape_cast %get3A_170 : vector<1x16xf32> to vector<16xf32>
        %add3A_172 = arith.addf %add3A_165, %get3A_171 : vector<16xf32>
        %add3A_173 = arith.constant 5 : i32
        %add3A_174 = arith.addi %mul3A_28, %add3A_173 : i32
        %get3A_175 = arith.index_cast %add3A_174 : i32 to index
        %get3A_176 = arith.constant 16 : index
        %get3A_177 = tpu.vector_load %arg7[%get3A_175, %get3A_176] {strides = array<i32>} : memref<128x256xf32, #tpu.memory_space<vmem>>, vector<1x16xf32>,
        %get3A_178 = vector.shape_cast %get3A_177 : vector<1x16xf32> to vector<16xf32>
        %add3A_179 = arith.addf %add3A_172, %get3A_178 : vector<16xf32>
        %add3A_180 = arith.constant 6 : i32
        %add3A_181 = arith.addi %mul3A_28, %add3A_180 : i32
        %get3A_182 = arith.index_cast %add3A_181 : i32 to index
        %get3A_183 = arith.constant 16 : index
        %get3A_184 = tpu.vector_load %arg7[%get3A_182, %get3A_183] {strides = array<i32>} : memref<128x256xf32, #tpu.memory_space<vmem>>, vector<1x16xf32>,
        %get3A_185 = vector.shape_cast %get3A_184 : vector<1x16xf32> to vector<16xf32>
        %add3A_186 = arith.addf %add3A_179, %get3A_185 : vector<16xf32>
        %add3A_187 = arith.constant 7 : i32
        %add3A_188 = arith.addi %mul3A_28, %add3A_187 : i32
        %get3A_189 = arith.index_cast %add3A_188 : i32 to index
        %get3A_190 = arith.constant 16 : index
        %get3A_191 = tpu.vector_load %arg7[%get3A_189, %get3A_190] {strides = array<i32>} : memref<128x256xf32, #tpu.memory_space<vmem>>, vector<1x16xf32>,
        %get3A_192 = vector.shape_cast %get3A_191 : vector<1x16xf32> to vector<16xf32>
        %add3A_193 = arith.addf %add3A_186, %get3A_192 : vector<16xf32>
        %add3A_194 = arith.constant 8 : i32
        %add3A_195 = arith.addi %mul3A_28, %add3A_194 : i32
        %get3A_196 = arith.index_cast %add3A_195 : i32 to index
        %get3A_197 = arith.constant 16 : index
        %get3A_198 = tpu.vector_load %arg7[%get3A_196, %get3A_197] {strides = array<i32>} : memref<128x256xf32, #tpu.memory_space<vmem>>, vector<1x16xf32>,
        %get3A_199 = vector.shape_cast %get3A_198 : vector<1x16xf32> to vector<16xf32>
        %add3A_200 = arith.addf %add3A_193, %get3A_199 : vector<16xf32>
        %add3A_201 = arith.constant 9 : i32
        %add3A_202 = arith.addi %mul3A_28, %add3A_201 : i32
        %get3A_203 = arith.index_cast %add3A_202 : i32 to index
        %get3A_204 = arith.constant 16 : index
        %get3A_205 = tpu.vector_load %arg7[%get3A_203, %get3A_204] {strides = array<i32>} : memref<128x256xf32, #tpu.memory_space<vmem>>, vector<1x16xf32>,
        %get3A_206 = vector.shape_cast %get3A_205 : vector<1x16xf32> to vector<16xf32>
        %add3A_207 = arith.addf %add3A_200, %get3A_206 : vector<16xf32>
        %add3A_208 = arith.constant 10 : i32
        %add3A_209 = arith.addi %mul3A_28, %add3A_208 : i32
        %get3A_210 = arith.index_cast %add3A_209 : i32 to index
        %get3A_211 = arith.constant 16 : index
        %get3A_212 = tpu.vector_load %arg7[%get3A_210, %get3A_211] {strides = array<i32>} : memref<128x256xf32, #tpu.memory_space<vmem>>, vector<1x16xf32>,
        %get3A_213 = vector.shape_cast %get3A_212 : vector<1x16xf32> to vector<16xf32>
        %add3A_214 = arith.addf %add3A_207, %get3A_213 : vector<16xf32>
        %add3A_215 = arith.constant 11 : i32
        %add3A_216 = arith.addi %mul3A_28, %add3A_215 : i32
        %get3A_217 = arith.index_cast %add3A_216 : i32 to index
        %get3A_218 = arith.constant 16 : index
        %get3A_219 = tpu.vector_load %arg7[%get3A_217, %get3A_218] {strides = array<i32>} : memref<128x256xf32, #tpu.memory_space<vmem>>, vector<1x16xf32>,
        %get3A_220 = vector.shape_cast %get3A_219 : vector<1x16xf32> to vector<16xf32>
        %add3A_221 = arith.addf %add3A_214, %get3A_220 : vector<16xf32>
        %add3A_222 = arith.constant 12 : i32
        %add3A_223 = arith.addi %mul3A_28, %add3A_222 : i32
        %get3A_224 = arith.index_cast %add3A_223 : i32 to index
        %get3A_225 = arith.constant 16 : index
        %get3A_226 = tpu.vector_load %arg7[%get3A_224, %get3A_225] {strides = array<i32>} : memref<128x256xf32, #tpu.memory_space<vmem>>, vector<1x16xf32>,
        %get3A_227 = vector.shape_cast %get3A_226 : vector<1x16xf32> to vector<16xf32>
        %add3A_228 = arith.addf %add3A_221, %get3A_227 : vector<16xf32>
        %add3A_229 = arith.constant 13 : i32
        %add3A_230 = arith.addi %mul3A_28, %add3A_229 : i32
        %get3A_231 = arith.index_cast %add3A_230 : i32 to index
        %get3A_232 = arith.constant 16 : index
        %get3A_233 = tpu.vector_load %arg7[%get3A_231, %get3A_232] {strides = array<i32>} : memref<128x256xf32, #tpu.memory_space<vmem>>, vector<1x16xf32>,
        %get3A_234 = vector.shape_cast %get3A_233 : vector<1x16xf32> to vector<16xf32>
        %add3A_235 = arith.addf %add3A_228, %get3A_234 : vector<16xf32>
        %add3A_236 = arith.constant 14 : i32
        %add3A_237 = arith.addi %mul3A_28, %add3A_236 : i32
        %get3A_238 = arith.index_cast %add3A_237 : i32 to index
        %get3A_239 = arith.constant 16 : index
        %get3A_240 = tpu.vector_load %arg7[%get3A_238, %get3A_239] {strides = array<i32>} : memref<128x256xf32, #tpu.memory_space<vmem>>, vector<1x16xf32>,
        %get3A_241 = vector.shape_cast %get3A_240 : vector<1x16xf32> to vector<16xf32>
        %add3A_242 = arith.addf %add3A_235, %get3A_241 : vector<16xf32>
        %add3A_243 = arith.constant 15 : i32
        %add3A_244 = arith.addi %mul3A_28, %add3A_243 : i32
        %get3A_245 = arith.index_cast %add3A_244 : i32 to index
        %get3A_246 = arith.constant 16 : index
        %get3A_247 = tpu.vector_load %arg7[%get3A_245, %get3A_246] {strides = array<i32>} : memref<128x256xf32, #tpu.memory_space<vmem>>, vector<1x16xf32>,
        %get3A_248 = vector.shape_cast %get3A_247 : vector<1x16xf32> to vector<16xf32>
        %add3A_249 = arith.addf %add3A_242, %get3A_248 : vector<16xf32>
        %swap3A_250 = arith.index_cast %scan3A_26 : i32 to index
        %swap3A_251 = arith.constant 16 : index
        %swap3A_252 = tpu.vector_load %arg8[%swap3A_250, %swap3A_251] {strides = array<i32>} : memref<8x256xf32, #tpu.memory_space<vmem>>, vector<1x16xf32>,
        %swap3A_253 = vector.shape_cast %swap3A_252 : vector<1x16xf32> to vector<16xf32>
        %swap3A_254 = vector.shape_cast %add3A_249 : vector<16xf32> to vector<1x16xf32>
        tpu.vector_store %arg8[%swap3A_250, %swap3A_251], %swap3A_254 {strides = array<i32>} : memref<8x256xf32, #tpu.memory_space<vmem>>, vector<1x16xf32>,
        %get3A_255 = arith.index_cast %mul3A_28 : i32 to index
        %get3A_256 = arith.constant 32 : index
        %get3A_257 = tpu.vector_load %arg7[%get3A_255, %get3A_256] {strides = array<i32>} : memref<128x256xf32, #tpu.memory_space<vmem>>, vector<1x16xf32>,
        %get3A_258 = vector.shape_cast %get3A_257 : vector<1x16xf32> to vector<16xf32>
        %add3A_259 = arith.constant 1 : i32
        %add3A_260 = arith.addi %mul3A_28, %add3A_259 : i32
        %get3A_261 = arith.index_cast %add3A_260 : i32 to index
        %get3A_262 = arith.constant 32 : index
        %get3A_263 = tpu.vector_load %arg7[%get3A_261, %get3A_262] {strides = array<i32>} : memref<128x256xf32, #tpu.memory_space<vmem>>, vector<1x16xf32>,
        %get3A_264 = vector.shape_cast %get3A_263 : vector<1x16xf32> to vector<16xf32>
        %add3A_265 = arith.addf %get3A_258, %get3A_264 : vector<16xf32>
        %add3A_266 = arith.constant 2 : i32
        %add3A_267 = arith.addi %mul3A_28, %add3A_266 : i32
        %get3A_268 = arith.index_cast %add3A_267 : i32 to index
        %get3A_269 = arith.constant 32 : index
        %get3A_270 = tpu.vector_load %arg7[%get3A_268, %get3A_269] {strides = array<i32>} : memref<128x256xf32, #tpu.memory_space<vmem>>, vector<1x16xf32>,
        %get3A_271 = vector.shape_cast %get3A_270 : vector<1x16xf32> to vector<16xf32>
        %add3A_272 = arith.addf %add3A_265, %get3A_271 : vector<16xf32>
        %add3A_273 = arith.constant 3 : i32
        %add3A_274 = arith.addi %mul3A_28, %add3A_273 : i32
        %get3A_275 = arith.index_cast %add3A_274 : i32 to index
        %get3A_276 = arith.constant 32 : index
        %get3A_277 = tpu.vector_load %arg7[%get3A_275, %get3A_276] {strides = array<i32>} : memref<128x256xf32, #tpu.memory_space<vmem>>, vector<1x16xf32>,
        %get3A_278 = vector.shape_cast %get3A_277 : vector<1x16xf32> to vector<16xf32>
        %add3A_279 = arith.addf %add3A_272, %get3A_278 : vector<16xf32>
        %add3A_280 = arith.constant 4 : i32
        %add3A_281 = arith.addi %mul3A_28, %add3A_280 : i32
        %get3A_282 = arith.index_cast %add3A_281 : i32 to index
        %get3A_283 = arith.constant 32 : index
        %get3A_284 = tpu.vector_load %arg7[%get3A_282, %get3A_283] {strides = array<i32>} : memref<128x256xf32, #tpu.memory_space<vmem>>, vector<1x16xf32>,
        %get3A_285 = vector.shape_cast %get3A_284 : vector<1x16xf32> to vector<16xf32>
        %add3A_286 = arith.addf %add3A_279, %get3A_285 : vector<16xf32>
        %add3A_287 = arith.constant 5 : i32
        %add3A_288 = arith.addi %mul3A_28, %add3A_287 : i32
        %get3A_289 = arith.index_cast %add3A_288 : i32 to index
        %get3A_290 = arith.constant 32 : index
        %get3A_291 = tpu.vector_load %arg7[%get3A_289, %get3A_290] {strides = array<i32>} : memref<128x256xf32, #tpu.memory_space<vmem>>, vector<1x16xf32>,
        %get3A_292 = vector.shape_cast %get3A_291 : vector<1x16xf32> to vector<16xf32>
        %add3A_293 = arith.addf %add3A_286, %get3A_292 : vector<16xf32>
        %add3A_294 = arith.constant 6 : i32
        %add3A_295 = arith.addi %mul3A_28, %add3A_294 : i32
        %get3A_296 = arith.index_cast %add3A_295 : i32 to index
        %get3A_297 = arith.constant 32 : index
        %get3A_298 = tpu.vector_load %arg7[%get3A_296, %get3A_297] {strides = array<i32>} : memref<128x256xf32, #tpu.memory_space<vmem>>, vector<1x16xf32>,
        %get3A_299 = vector.shape_cast %get3A_298 : vector<1x16xf32> to vector<16xf32>
        %add3A_300 = arith.addf %add3A_293, %get3A_299 : vector<16xf32>
        %add3A_301 = arith.constant 7 : i32
        %add3A_302 = arith.addi %mul3A_28, %add3A_301 : i32
        %get3A_303 = arith.index_cast %add3A_302 : i32 to index
        %get3A_304 = arith.constant 32 : index
        %get3A_305 = tpu.vector_load %arg7[%get3A_303, %get3A_304] {strides = array<i32>} : memref<128x256xf32, #tpu.memory_space<vmem>>, vector<1x16xf32>,
        %get3A_306 = vector.shape_cast %get3A_305 : vector<1x16xf32> to vector<16xf32>
        %add3A_307 = arith.addf %add3A_300, %get3A_306 : vector<16xf32>
        %add3A_308 = arith.constant 8 : i32
        %add3A_309 = arith.addi %mul3A_28, %add3A_308 : i32
        %get3A_310 = arith.index_cast %add3A_309 : i32 to index
        %get3A_311 = arith.constant 32 : index
        %get3A_312 = tpu.vector_load %arg7[%get3A_310, %get3A_311] {strides = array<i32>} : memref<128x256xf32, #tpu.memory_space<vmem>>, vector<1x16xf32>,
        %get3A_313 = vector.shape_cast %get3A_312 : vector<1x16xf32> to vector<16xf32>
        %add3A_314 = arith.addf %add3A_307, %get3A_313 : vector<16xf32>
        %add3A_315 = arith.constant 9 : i32
        %add3A_316 = arith.addi %mul3A_28, %add3A_315 : i32
        %get3A_317 = arith.index_cast %add3A_316 : i32 to index
        %get3A_318 = arith.constant 32 : index
        %get3A_319 = tpu.vector_load %arg7[%get3A_317, %get3A_318] {strides = array<i32>} : memref<128x256xf32, #tpu.memory_space<vmem>>, vector<1x16xf32>,
        %get3A_320 = vector.shape_cast %get3A_319 : vector<1x16xf32> to vector<16xf32>
        %add3A_321 = arith.addf %add3A_314, %get3A_320 : vector<16xf32>
        %add3A_322 = arith.constant 10 : i32
        %add3A_323 = arith.addi %mul3A_28, %add3A_322 : i32
        %get3A_324 = arith.index_cast %add3A_323 : i32 to index
        %get3A_325 = arith.constant 32 : index
        %get3A_326 = tpu.vector_load %arg7[%get3A_324, %get3A_325] {strides = array<i32>} : memref<128x256xf32, #tpu.memory_space<vmem>>, vector<1x16xf32>,
        %get3A_327 = vector.shape_cast %get3A_326 : vector<1x16xf32> to vector<16xf32>
        %add3A_328 = arith.addf %add3A_321, %get3A_327 : vector<16xf32>
        %add3A_329 = arith.constant 11 : i32
        %add3A_330 = arith.addi %mul3A_28, %add3A_329 : i32
        %get3A_331 = arith.index_cast %add3A_330 : i32 to index
        %get3A_332 = arith.constant 32 : index
        %get3A_333 = tpu.vector_load %arg7[%get3A_331, %get3A_332] {strides = array<i32>} : memref<128x256xf32, #tpu.memory_space<vmem>>, vector<1x16xf32>,
        %get3A_334 = vector.shape_cast %get3A_333 : vector<1x16xf32> to vector<16xf32>
        %add3A_335 = arith.addf %add3A_328, %get3A_334 : vector<16xf32>
        %add3A_336 = arith.constant 12 : i32
        %add3A_337 = arith.addi %mul3A_28, %add3A_336 : i32
        %get3A_338 = arith.index_cast %add3A_337 : i32 to index
        %get3A_339 = arith.constant 32 : index
        %get3A_340 = tpu.vector_load %arg7[%get3A_338, %get3A_339] {strides = array<i32>} : memref<128x256xf32, #tpu.memory_space<vmem>>, vector<1x16xf32>,
        %get3A_341 = vector.shape_cast %get3A_340 : vector<1x16xf32> to vector<16xf32>
        %add3A_342 = arith.addf %add3A_335, %get3A_341 : vector<16xf32>
        %add3A_343 = arith.constant 13 : i32
        %add3A_344 = arith.addi %mul3A_28, %add3A_343 : i32
        %get3A_345 = arith.index_cast %add3A_344 : i32 to index
        %get3A_346 = arith.constant 32 : index
        %get3A_347 = tpu.vector_load %arg7[%get3A_345, %get3A_346] {strides = array<i32>} : memref<128x256xf32, #tpu.memory_space<vmem>>, vector<1x16xf32>,
        %get3A_348 = vector.shape_cast %get3A_347 : vector<1x16xf32> to vector<16xf32>
        %add3A_349 = arith.addf %add3A_342, %get3A_348 : vector<16xf32>
        %add3A_350 = arith.constant 14 : i32
        %add3A_351 = arith.addi %mul3A_28, %add3A_350 : i32
        %get3A_352 = arith.index_cast %add3A_351 : i32 to index
        %get3A_353 = arith.constant 32 : index
        %get3A_354 = tpu.vector_load %arg7[%get3A_352, %get3A_353] {strides = array<i32>} : memref<128x256xf32, #tpu.memory_space<vmem>>, vector<1x16xf32>,
        %get3A_355 = vector.shape_cast %get3A_354 : vector<1x16xf32> to vector<16xf32>
        %add3A_356 = arith.addf %add3A_349, %get3A_355 : vector<16xf32>
        %add3A_357 = arith.constant 15 : i32
        %add3A_358 = arith.addi %mul3A_28, %add3A_357 : i32
        %get3A_359 = arith.index_cast %add3A_358 : i32 to index
        %get3A_360 = arith.constant 32 : index
        %get3A_361 = tpu.vector_load %arg7[%get3A_359, %get3A_360] {strides = array<i32>} : memref<128x256xf32, #tpu.memory_space<vmem>>, vector<1x16xf32>,
        %get3A_362 = vector.shape_cast %get3A_361 : vector<1x16xf32> to vector<16xf32>
        %add3A_363 = arith.addf %add3A_356, %get3A_362 : vector<16xf32>
        %swap3A_364 = arith.index_cast %scan3A_26 : i32 to index
        %swap3A_365 = arith.constant 32 : index
        %swap3A_366 = tpu.vector_load %arg8[%swap3A_364, %swap3A_365] {strides = array<i32>} : memref<8x256xf32, #tpu.memory_space<vmem>>, vector<1x16xf32>,
        %swap3A_367 = vector.shape_cast %swap3A_366 : vector<1x16xf32> to vector<16xf32>
        %swap3A_368 = vector.shape_cast %add3A_363 : vector<16xf32> to vector<1x16xf32>
        tpu.vector_store %arg8[%swap3A_364, %swap3A_365], %swap3A_368 {strides = array<i32>} : memref<8x256xf32, #tpu.memory_space<vmem>>, vector<1x16xf32>,
        %get3A_369 = arith.index_cast %mul3A_28 : i32 to index
        %get3A_370 = arith.constant 48 : index
        %get3A_371 = tpu.vector_load %arg7[%get3A_369, %get3A_370] {strides = array<i32>} : memref<128x256xf32, #tpu.memory_space<vmem>>, vector<1x16xf32>,
        %get3A_372 = vector.shape_cast %get3A_371 : vector<1x16xf32> to vector<16xf32>
        %add3A_373 = arith.constant 1 : i32
        %add3A_374 = arith.addi %mul3A_28, %add3A_373 : i32
        %get3A_375 = arith.index_cast %add3A_374 : i32 to index
        %get3A_376 = arith.constant 48 : index
        %get3A_377 = tpu.vector_load %arg7[%get3A_375, %get3A_376] {strides = array<i32>} : memref<128x256xf32, #tpu.memory_space<vmem>>, vector<1x16xf32>,
        %get3A_378 = vector.shape_cast %get3A_377 : vector<1x16xf32> to vector<16xf32>
        %add3A_379 = arith.addf %get3A_372, %get3A_378 : vector<16xf32>
        %add3A_380 = arith.constant 2 : i32
        %add3A_381 = arith.addi %mul3A_28, %add3A_380 : i32
        %get3A_382 = arith.index_cast %add3A_381 : i32 to index
        %get3A_383 = arith.constant 48 : index
        %get3A_384 = tpu.vector_load %arg7[%get3A_382, %get3A_383] {strides = array<i32>} : memref<128x256xf32, #tpu.memory_space<vmem>>, vector<1x16xf32>,
        %get3A_385 = vector.shape_cast %get3A_384 : vector<1x16xf32> to vector<16xf32>
        %add3A_386 = arith.addf %add3A_379, %get3A_385 : vector<16xf32>
        %add3A_387 = arith.constant 3 : i32
        %add3A_388 = arith.addi %mul3A_28, %add3A_387 : i32
        %get3A_389 = arith.index_cast %add3A_388 : i32 to index
        %get3A_390 = arith.constant 48 : index
        %get3A_391 = tpu.vector_load %arg7[%get3A_389, %get3A_390] {strides = array<i32>} : memref<128x256xf32, #tpu.memory_space<vmem>>, vector<1x16xf32>,
        %get3A_392 = vector.shape_cast %get3A_391 : vector<1x16xf32> to vector<16xf32>
        %add3A_393 = arith.addf %add3A_386, %get3A_392 : vector<16xf32>
        %add3A_394 = arith.constant 4 : i32
        %add3A_395 = arith.addi %mul3A_28, %add3A_394 : i32
        %get3A_396 = arith.index_cast %add3A_395 : i32 to index
        %get3A_397 = arith.constant 48 : index
        %get3A_398 = tpu.vector_load %arg7[%get3A_396, %get3A_397] {strides = array<i32>} : memref<128x256xf32, #tpu.memory_space<vmem>>, vector<1x16xf32>,
        %get3A_399 = vector.shape_cast %get3A_398 : vector<1x16xf32> to vector<16xf32>
        %add3A_400 = arith.addf %add3A_393, %get3A_399 : vector<16xf32>
        %add3A_401 = arith.constant 5 : i32
        %add3A_402 = arith.addi %mul3A_28, %add3A_401 : i32
        %get3A_403 = arith.index_cast %add3A_402 : i32 to index
        %get3A_404 = arith.constant 48 : index
        %get3A_405 = tpu.vector_load %arg7[%get3A_403, %get3A_404] {strides = array<i32>} : memref<128x256xf32, #tpu.memory_space<vmem>>, vector<1x16xf32>,
        %get3A_406 = vector.shape_cast %get3A_405 : vector<1x16xf32> to vector<16xf32>
        %add3A_407 = arith.addf %add3A_400, %get3A_406 : vector<16xf32>
        %add3A_408 = arith.constant 6 : i32
        %add3A_409 = arith.addi %mul3A_28, %add3A_408 : i32
        %get3A_410 = arith.index_cast %add3A_409 : i32 to index
        %get3A_411 = arith.constant 48 : index
        %get3A_412 = tpu.vector_load %arg7[%get3A_410, %get3A_411] {strides = array<i32>} : memref<128x256xf32, #tpu.memory_space<vmem>>, vector<1x16xf32>,
        %get3A_413 = vector.shape_cast %get3A_412 : vector<1x16xf32> to vector<16xf32>
        %add3A_414 = arith.addf %add3A_407, %get3A_413 : vector<16xf32>
        %add3A_415 = arith.constant 7 : i32
        %add3A_416 = arith.addi %mul3A_28, %add3A_415 : i32
        %get3A_417 = arith.index_cast %add3A_416 : i32 to index
        %get3A_418 = arith.constant 48 : index
        %get3A_419 = tpu.vector_load %arg7[%get3A_417, %get3A_418] {strides = array<i32>} : memref<128x256xf32, #tpu.memory_space<vmem>>, vector<1x16xf32>,
        %get3A_420 = vector.shape_cast %get3A_419 : vector<1x16xf32> to vector<16xf32>
        %add3A_421 = arith.addf %add3A_414, %get3A_420 : vector<16xf32>
        %add3A_422 = arith.constant 8 : i32
        %add3A_423 = arith.addi %mul3A_28, %add3A_422 : i32
        %get3A_424 = arith.index_cast %add3A_423 : i32 to index
        %get3A_425 = arith.constant 48 : index
        %get3A_426 = tpu.vector_load %arg7[%get3A_424, %get3A_425] {strides = array<i32>} : memref<128x256xf32, #tpu.memory_space<vmem>>, vector<1x16xf32>,
        %get3A_427 = vector.shape_cast %get3A_426 : vector<1x16xf32> to vector<16xf32>
        %add3A_428 = arith.addf %add3A_421, %get3A_427 : vector<16xf32>
        %add3A_429 = arith.constant 9 : i32
        %add3A_430 = arith.addi %mul3A_28, %add3A_429 : i32
        %get3A_431 = arith.index_cast %add3A_430 : i32 to index
        %get3A_432 = arith.constant 48 : index
        %get3A_433 = tpu.vector_load %arg7[%get3A_431, %get3A_432] {strides = array<i32>} : memref<128x256xf32, #tpu.memory_space<vmem>>, vector<1x16xf32>,
        %get3A_434 = vector.shape_cast %get3A_433 : vector<1x16xf32> to vector<16xf32>
        %add3A_435 = arith.addf %add3A_428, %get3A_434 : vector<16xf32>
        %add3A_436 = arith.constant 10 : i32
        %add3A_437 = arith.addi %mul3A_28, %add3A_436 : i32
        %get3A_438 = arith.index_cast %add3A_437 : i32 to index
        %get3A_439 = arith.constant 48 : index
        %get3A_440 = tpu.vector_load %arg7[%get3A_438, %get3A_439] {strides = array<i32>} : memref<128x256xf32, #tpu.memory_space<vmem>>, vector<1x16xf32>,
        %get3A_441 = vector.shape_cast %get3A_440 : vector<1x16xf32> to vector<16xf32>
        %add3A_442 = arith.addf %add3A_435, %get3A_441 : vector<16xf32>
        %add3A_443 = arith.constant 11 : i32
        %add3A_444 = arith.addi %mul3A_28, %add3A_443 : i32
        %get3A_445 = arith.index_cast %add3A_444 : i32 to index
        %get3A_446 = arith.constant 48 : index
        %get3A_447 = tpu.vector_load %arg7[%get3A_445, %get3A_446] {strides = array<i32>} : memref<128x256xf32, #tpu.memory_space<vmem>>, vector<1x16xf32>,
        %get3A_448 = vector.shape_cast %get3A_447 : vector<1x16xf32> to vector<16xf32>
        %add3A_449 = arith.addf %add3A_442, %get3A_448 : vector<16xf32>
        %add3A_450 = arith.constant 12 : i32
        %add3A_451 = arith.addi %mul3A_28, %add3A_450 : i32
        %get3A_452 = arith.index_cast %add3A_451 : i32 to index
        %get3A_453 = arith.constant 48 : index
        %get3A_454 = tpu.vector_load %arg7[%get3A_452, %get3A_453] {strides = array<i32>} : memref<128x256xf32, #tpu.memory_space<vmem>>, vector<1x16xf32>,
        %get3A_455 = vector.shape_cast %get3A_454 : vector<1x16xf32> to vector<16xf32>
        %add3A_456 = arith.addf %add3A_449, %get3A_455 : vector<16xf32>
        %add3A_457 = arith.constant 13 : i32
        %add3A_458 = arith.addi %mul3A_28, %add3A_457 : i32
        %get3A_459 = arith.index_cast %add3A_458 : i32 to index
        %get3A_460 = arith.constant 48 : index
        %get3A_461 = tpu.vector_load %arg7[%get3A_459, %get3A_460] {strides = array<i32>} : memref<128x256xf32, #tpu.memory_space<vmem>>, vector<1x16xf32>,
        %get3A_462 = vector.shape_cast %get3A_461 : vector<1x16xf32> to vector<16xf32>
        %add3A_463 = arith.addf %add3A_456, %get3A_462 : vector<16xf32>
        %add3A_464 = arith.constant 14 : i32
        %add3A_465 = arith.addi %mul3A_28, %add3A_464 : i32
        %get3A_466 = arith.index_cast %add3A_465 : i32 to index
        %get3A_467 = arith.constant 48 : index
        %get3A_468 = tpu.vector_load %arg7[%get3A_466, %get3A_467] {strides = array<i32>} : memref<128x256xf32, #tpu.memory_space<vmem>>, vector<1x16xf32>,
        %get3A_469 = vector.shape_cast %get3A_468 : vector<1x16xf32> to vector<16xf32>
        %add3A_470 = arith.addf %add3A_463, %get3A_469 : vector<16xf32>
        %add3A_471 = arith.constant 15 : i32
        %add3A_472 = arith.addi %mul3A_28, %add3A_471 : i32
        %get3A_473 = arith.index_cast %add3A_472 : i32 to index
        %get3A_474 = arith.constant 48 : index
        %get3A_475 = tpu.vector_load %arg7[%get3A_473, %get3A_474] {strides = array<i32>} : memref<128x256xf32, #tpu.memory_space<vmem>>, vector<1x16xf32>,
        %get3A_476 = vector.shape_cast %get3A_475 : vector<1x16xf32> to vector<16xf32>
        %add3A_477 = arith.addf %add3A_470, %get3A_476 : vector<16xf32>
        %swap3A_478 = arith.index_cast %scan3A_26 : i32 to index
        %swap3A_479 = arith.constant 48 : index
        %swap3A_480 = tpu.vector_load %arg8[%swap3A_478, %swap3A_479] {strides = array<i32>} : memref<8x256xf32, #tpu.memory_space<vmem>>, vector<1x16xf32>,
        %swap3A_481 = vector.shape_cast %swap3A_480 : vector<1x16xf32> to vector<16xf32>
        %swap3A_482 = vector.shape_cast %add3A_477 : vector<16xf32> to vector<1x16xf32>
        tpu.vector_store %arg8[%swap3A_478, %swap3A_479], %swap3A_482 {strides = array<i32>} : memref<8x256xf32, #tpu.memory_space<vmem>>, vector<1x16xf32>,
        %get3A_483 = arith.index_cast %mul3A_28 : i32 to index
        %get3A_484 = arith.constant 64 : index
        %get3A_485 = tpu.vector_load %arg7[%get3A_483, %get3A_484] {strides = array<i32>} : memref<128x256xf32, #tpu.memory_space<vmem>>, vector<1x16xf32>,
        %get3A_486 = vector.shape_cast %get3A_485 : vector<1x16xf32> to vector<16xf32>
        %add3A_487 = arith.constant 1 : i32
        %add3A_488 = arith.addi %mul3A_28, %add3A_487 : i32
        %get3A_489 = arith.index_cast %add3A_488 : i32 to index
        %get3A_490 = arith.constant 64 : index
        %get3A_491 = tpu.vector_load %arg7[%get3A_489, %get3A_490] {strides = array<i32>} : memref<128x256xf32, #tpu.memory_space<vmem>>, vector<1x16xf32>,
        %get3A_492 = vector.shape_cast %get3A_491 : vector<1x16xf32> to vector<16xf32>
        %add3A_493 = arith.addf %get3A_486, %get3A_492 : vector<16xf32>
        %add3A_494 = arith.constant 2 : i32
        %add3A_495 = arith.addi %mul3A_28, %add3A_494 : i32
        %get3A_496 = arith.index_cast %add3A_495 : i32 to index
        %get3A_497 = arith.constant 64 : index
        %get3A_498 = tpu.vector_load %arg7[%get3A_496, %get3A_497] {strides = array<i32>} : memref<128x256xf32, #tpu.memory_space<vmem>>, vector<1x16xf32>,
        %get3A_499 = vector.shape_cast %get3A_498 : vector<1x16xf32> to vector<16xf32>
        %add3A_500 = arith.addf %add3A_493, %get3A_499 : vector<16xf32>
        %add3A_501 = arith.constant 3 : i32
        %add3A_502 = arith.addi %mul3A_28, %add3A_501 : i32
        %get3A_503 = arith.index_cast %add3A_502 : i32 to index
        %get3A_504 = arith.constant 64 : index
        %get3A_505 = tpu.vector_load %arg7[%get3A_503, %get3A_504] {strides = array<i32>} : memref<128x256xf32, #tpu.memory_space<vmem>>, vector<1x16xf32>,
        %get3A_506 = vector.shape_cast %get3A_505 : vector<1x16xf32> to vector<16xf32>
        %add3A_507 = arith.addf %add3A_500, %get3A_506 : vector<16xf32>
        %add3A_508 = arith.constant 4 : i32
        %add3A_509 = arith.addi %mul3A_28, %add3A_508 : i32
        %get3A_510 = arith.index_cast %add3A_509 : i32 to index
        %get3A_511 = arith.constant 64 : index
        %get3A_512 = tpu.vector_load %arg7[%get3A_510, %get3A_511] {strides = array<i32>} : memref<128x256xf32, #tpu.memory_space<vmem>>, vector<1x16xf32>,
        %get3A_513 = vector.shape_cast %get3A_512 : vector<1x16xf32> to vector<16xf32>
        %add3A_514 = arith.addf %add3A_507, %get3A_513 : vector<16xf32>
        %add3A_515 = arith.constant 5 : i32
        %add3A_516 = arith.addi %mul3A_28, %add3A_515 : i32
        %get3A_517 = arith.index_cast %add3A_516 : i32 to index
        %get3A_518 = arith.constant 64 : index
        %get3A_519 = tpu.vector_load %arg7[%get3A_517, %get3A_518] {strides = array<i32>} : memref<128x256xf32, #tpu.memory_space<vmem>>, vector<1x16xf32>,
        %get3A_520 = vector.shape_cast %get3A_519 : vector<1x16xf32> to vector<16xf32>
        %add3A_521 = arith.addf %add3A_514, %get3A_520 : vector<16xf32>
        %add3A_522 = arith.constant 6 : i32
        %add3A_523 = arith.addi %mul3A_28, %add3A_522 : i32
        %get3A_524 = arith.index_cast %add3A_523 : i32 to index
        %get3A_525 = arith.constant 64 : index
        %get3A_526 = tpu.vector_load %arg7[%get3A_524, %get3A_525] {strides = array<i32>} : memref<128x256xf32, #tpu.memory_space<vmem>>, vector<1x16xf32>,
        %get3A_527 = vector.shape_cast %get3A_526 : vector<1x16xf32> to vector<16xf32>
        %add3A_528 = arith.addf %add3A_521, %get3A_527 : vector<16xf32>
        %add3A_529 = arith.constant 7 : i32
        %add3A_530 = arith.addi %mul3A_28, %add3A_529 : i32
        %get3A_531 = arith.index_cast %add3A_530 : i32 to index
        %get3A_532 = arith.constant 64 : index
        %get3A_533 = tpu.vector_load %arg7[%get3A_531, %get3A_532] {strides = array<i32>} : memref<128x256xf32, #tpu.memory_space<vmem>>, vector<1x16xf32>,
        %get3A_534 = vector.shape_cast %get3A_533 : vector<1x16xf32> to vector<16xf32>
        %add3A_535 = arith.addf %add3A_528, %get3A_534 : vector<16xf32>
        %add3A_536 = arith.constant 8 : i32
        %add3A_537 = arith.addi %mul3A_28, %add3A_536 : i32
        %get3A_538 = arith.index_cast %add3A_537 : i32 to index
        %get3A_539 = arith.constant 64 : index
        %get3A_540 = tpu.vector_load %arg7[%get3A_538, %get3A_539] {strides = array<i32>} : memref<128x256xf32, #tpu.memory_space<vmem>>, vector<1x16xf32>,
        %get3A_541 = vector.shape_cast %get3A_540 : vector<1x16xf32> to vector<16xf32>
        %add3A_542 = arith.addf %add3A_535, %get3A_541 : vector<16xf32>
        %add3A_543 = arith.constant 9 : i32
        %add3A_544 = arith.addi %mul3A_28, %add3A_543 : i32
        %get3A_545 = arith.index_cast %add3A_544 : i32 to index
        %get3A_546 = arith.constant 64 : index
        %get3A_547 = tpu.vector_load %arg7[%get3A_545, %get3A_546] {strides = array<i32>} : memref<128x256xf32, #tpu.memory_space<vmem>>, vector<1x16xf32>,
        %get3A_548 = vector.shape_cast %get3A_547 : vector<1x16xf32> to vector<16xf32>
        %add3A_549 = arith.addf %add3A_542, %get3A_548 : vector<16xf32>
        %add3A_550 = arith.constant 10 : i32
        %add3A_551 = arith.addi %mul3A_28, %add3A_550 : i32
        %get3A_552 = arith.index_cast %add3A_551 : i32 to index
        %get3A_553 = arith.constant 64 : index
        %get3A_554 = tpu.vector_load %arg7[%get3A_552, %get3A_553] {strides = array<i32>} : memref<128x256xf32, #tpu.memory_space<vmem>>, vector<1x16xf32>,
        %get3A_555 = vector.shape_cast %get3A_554 : vector<1x16xf32> to vector<16xf32>
        %add3A_556 = arith.addf %add3A_549, %get3A_555 : vector<16xf32>
        %add3A_557 = arith.constant 11 : i32
        %add3A_558 = arith.addi %mul3A_28, %add3A_557 : i32
        %get3A_559 = arith.index_cast %add3A_558 : i32 to index
        %get3A_560 = arith.constant 64 : index
        %get3A_561 = tpu.vector_load %arg7[%get3A_559, %get3A_560] {strides = array<i32>} : memref<128x256xf32, #tpu.memory_space<vmem>>, vector<1x16xf32>,
        %get3A_562 = vector.shape_cast %get3A_561 : vector<1x16xf32> to vector<16xf32>
        %add3A_563 = arith.addf %add3A_556, %get3A_562 : vector<16xf32>
        %add3A_564 = arith.constant 12 : i32
        %add3A_565 = arith.addi %mul3A_28, %add3A_564 : i32
        %get3A_566 = arith.index_cast %add3A_565 : i32 to index
        %get3A_567 = arith.constant 64 : index
        %get3A_568 = tpu.vector_load %arg7[%get3A_566, %get3A_567] {strides = array<i32>} : memref<128x256xf32, #tpu.memory_space<vmem>>, vector<1x16xf32>,
        %get3A_569 = vector.shape_cast %get3A_568 : vector<1x16xf32> to vector<16xf32>
        %add3A_570 = arith.addf %add3A_563, %get3A_569 : vector<16xf32>
        %add3A_571 = arith.constant 13 : i32
        %add3A_572 = arith.addi %mul3A_28, %add3A_571 : i32
        %get3A_573 = arith.index_cast %add3A_572 : i32 to index
        %get3A_574 = arith.constant 64 : index
        %get3A_575 = tpu.vector_load %arg7[%get3A_573, %get3A_574] {strides = array<i32>} : memref<128x256xf32, #tpu.memory_space<vmem>>, vector<1x16xf32>,
        %get3A_576 = vector.shape_cast %get3A_575 : vector<1x16xf32> to vector<16xf32>
        %add3A_577 = arith.addf %add3A_570, %get3A_576 : vector<16xf32>
        %add3A_578 = arith.constant 14 : i32
        %add3A_579 = arith.addi %mul3A_28, %add3A_578 : i32
        %get3A_580 = arith.index_cast %add3A_579 : i32 to index
        %get3A_581 = arith.constant 64 : index
        %get3A_582 = tpu.vector_load %arg7[%get3A_580, %get3A_581] {strides = array<i32>} : memref<128x256xf32, #tpu.memory_space<vmem>>, vector<1x16xf32>,
        %get3A_583 = vector.shape_cast %get3A_582 : vector<1x16xf32> to vector<16xf32>
        %add3A_584 = arith.addf %add3A_577, %get3A_583 : vector<16xf32>
        %add3A_585 = arith.constant 15 : i32
        %add3A_586 = arith.addi %mul3A_28, %add3A_585 : i32
        %get3A_587 = arith.index_cast %add3A_586 : i32 to index
        %get3A_588 = arith.constant 64 : index
        %get3A_589 = tpu.vector_load %arg7[%get3A_587, %get3A_588] {strides = array<i32>} : memref<128x256xf32, #tpu.memory_space<vmem>>, vector<1x16xf32>,
        %get3A_590 = vector.shape_cast %get3A_589 : vector<1x16xf32> to vector<16xf32>
        %add3A_591 = arith.addf %add3A_584, %get3A_590 : vector<16xf32>
        %swap3A_592 = arith.index_cast %scan3A_26 : i32 to index
        %swap3A_593 = arith.constant 64 : index
        %swap3A_594 = tpu.vector_load %arg8[%swap3A_592, %swap3A_593] {strides = array<i32>} : memref<8x256xf32, #tpu.memory_space<vmem>>, vector<1x16xf32>,
        %swap3A_595 = vector.shape_cast %swap3A_594 : vector<1x16xf32> to vector<16xf32>
        %swap3A_596 = vector.shape_cast %add3A_591 : vector<16xf32> to vector<1x16xf32>
        tpu.vector_store %arg8[%swap3A_592, %swap3A_593], %swap3A_596 {strides = array<i32>} : memref<8x256xf32, #tpu.memory_space<vmem>>, vector<1x16xf32>,
        %get3A_597 = arith.index_cast %mul3A_28 : i32 to index
        %get3A_598 = arith.constant 80 : index
        %get3A_599 = tpu.vector_load %arg7[%get3A_597, %get3A_598] {strides = array<i32>} : memref<128x256xf32, #tpu.memory_space<vmem>>, vector<1x16xf32>,
        %get3A_600 = vector.shape_cast %get3A_599 : vector<1x16xf32> to vector<16xf32>
        %add3A_601 = arith.constant 1 : i32
        %add3A_602 = arith.addi %mul3A_28, %add3A_601 : i32
        %get3A_603 = arith.index_cast %add3A_602 : i32 to index
        %get3A_604 = arith.constant 80 : index
        %get3A_605 = tpu.vector_load %arg7[%get3A_603, %get3A_604] {strides = array<i32>} : memref<128x256xf32, #tpu.memory_space<vmem>>, vector<1x16xf32>,
        %get3A_606 = vector.shape_cast %get3A_605 : vector<1x16xf32> to vector<16xf32>
        %add3A_607 = arith.addf %get3A_600, %get3A_606 : vector<16xf32>
        %add3A_608 = arith.constant 2 : i32
        %add3A_609 = arith.addi %mul3A_28, %add3A_608 : i32
        %get3A_610 = arith.index_cast %add3A_609 : i32 to index
        %get3A_611 = arith.constant 80 : index
        %get3A_612 = tpu.vector_load %arg7[%get3A_610, %get3A_611] {strides = array<i32>} : memref<128x256xf32, #tpu.memory_space<vmem>>, vector<1x16xf32>,
        %get3A_613 = vector.shape_cast %get3A_612 : vector<1x16xf32> to vector<16xf32>
        %add3A_614 = arith.addf %add3A_607, %get3A_613 : vector<16xf32>
        %add3A_615 = arith.constant 3 : i32
        %add3A_616 = arith.addi %mul3A_28, %add3A_615 : i32
        %get3A_617 = arith.index_cast %add3A_616 : i32 to index
        %get3A_618 = arith.constant 80 : index
        %get3A_619 = tpu.vector_load %arg7[%get3A_617, %get3A_618] {strides = array<i32>} : memref<128x256xf32, #tpu.memory_space<vmem>>, vector<1x16xf32>,
        %get3A_620 = vector.shape_cast %get3A_619 : vector<1x16xf32> to vector<16xf32>
        %add3A_621 = arith.addf %add3A_614, %get3A_620 : vector<16xf32>
        %add3A_622 = arith.constant 4 : i32
        %add3A_623 = arith.addi %mul3A_28, %add3A_622 : i32
        %get3A_624 = arith.index_cast %add3A_623 : i32 to index
        %get3A_625 = arith.constant 80 : index
        %get3A_626 = tpu.vector_load %arg7[%get3A_624, %get3A_625] {strides = array<i32>} : memref<128x256xf32, #tpu.memory_space<vmem>>, vector<1x16xf32>,
        %get3A_627 = vector.shape_cast %get3A_626 : vector<1x16xf32> to vector<16xf32>
        %add3A_628 = arith.addf %add3A_621, %get3A_627 : vector<16xf32>
        %add3A_629 = arith.constant 5 : i32
        %add3A_630 = arith.addi %mul3A_28, %add3A_629 : i32
        %get3A_631 = arith.index_cast %add3A_630 : i32 to index
        %get3A_632 = arith.constant 80 : index
        %get3A_633 = tpu.vector_load %arg7[%get3A_631, %get3A_632] {strides = array<i32>} : memref<128x256xf32, #tpu.memory_space<vmem>>, vector<1x16xf32>,
        %get3A_634 = vector.shape_cast %get3A_633 : vector<1x16xf32> to vector<16xf32>
        %add3A_635 = arith.addf %add3A_628, %get3A_634 : vector<16xf32>
        %add3A_636 = arith.constant 6 : i32
        %add3A_637 = arith.addi %mul3A_28, %add3A_636 : i32
        %get3A_638 = arith.index_cast %add3A_637 : i32 to index
        %get3A_639 = arith.constant 80 : index
        %get3A_640 = tpu.vector_load %arg7[%get3A_638, %get3A_639] {strides = array<i32>} : memref<128x256xf32, #tpu.memory_space<vmem>>, vector<1x16xf32>,
        %get3A_641 = vector.shape_cast %get3A_640 : vector<1x16xf32> to vector<16xf32>
        %add3A_642 = arith.addf %add3A_635, %get3A_641 : vector<16xf32>
        %add3A_643 = arith.constant 7 : i32
        %add3A_644 = arith.addi %mul3A_28, %add3A_643 : i32
        %get3A_645 = arith.index_cast %add3A_644 : i32 to index
        %get3A_646 = arith.constant 80 : index
        %get3A_647 = tpu.vector_load %arg7[%get3A_645, %get3A_646] {strides = array<i32>} : memref<128x256xf32, #tpu.memory_space<vmem>>, vector<1x16xf32>,
        %get3A_648 = vector.shape_cast %get3A_647 : vector<1x16xf32> to vector<16xf32>
        %add3A_649 = arith.addf %add3A_642, %get3A_648 : vector<16xf32>
        %add3A_650 = arith.constant 8 : i32
        %add3A_651 = arith.addi %mul3A_28, %add3A_650 : i32
        %get3A_652 = arith.index_cast %add3A_651 : i32 to index
        %get3A_653 = arith.constant 80 : index
        %get3A_654 = tpu.vector_load %arg7[%get3A_652, %get3A_653] {strides = array<i32>} : memref<128x256xf32, #tpu.memory_space<vmem>>, vector<1x16xf32>,
        %get3A_655 = vector.shape_cast %get3A_654 : vector<1x16xf32> to vector<16xf32>
        %add3A_656 = arith.addf %add3A_649, %get3A_655 : vector<16xf32>
        %add3A_657 = arith.constant 9 : i32
        %add3A_658 = arith.addi %mul3A_28, %add3A_657 : i32
        %get3A_659 = arith.index_cast %add3A_658 : i32 to index
        %get3A_660 = arith.constant 80 : index
        %get3A_661 = tpu.vector_load %arg7[%get3A_659, %get3A_660] {strides = array<i32>} : memref<128x256xf32, #tpu.memory_space<vmem>>, vector<1x16xf32>,
        %get3A_662 = vector.shape_cast %get3A_661 : vector<1x16xf32> to vector<16xf32>
        %add3A_663 = arith.addf %add3A_656, %get3A_662 : vector<16xf32>
        %add3A_664 = arith.constant 10 : i32
        %add3A_665 = arith.addi %mul3A_28, %add3A_664 : i32
        %get3A_666 = arith.index_cast %add3A_665 : i32 to index
        %get3A_667 = arith.constant 80 : index
        %get3A_668 = tpu.vector_load %arg7[%get3A_666, %get3A_667] {strides = array<i32>} : memref<128x256xf32, #tpu.memory_space<vmem>>, vector<1x16xf32>,
        %get3A_669 = vector.shape_cast %get3A_668 : vector<1x16xf32> to vector<16xf32>
        %add3A_670 = arith.addf %add3A_663, %get3A_669 : vector<16xf32>
        %add3A_671 = arith.constant 11 : i32
        %add3A_672 = arith.addi %mul3A_28, %add3A_671 : i32
        %get3A_673 = arith.index_cast %add3A_672 : i32 to index
        %get3A_674 = arith.constant 80 : index
        %get3A_675 = tpu.vector_load %arg7[%get3A_673, %get3A_674] {strides = array<i32>} : memref<128x256xf32, #tpu.memory_space<vmem>>, vector<1x16xf32>,
        %get3A_676 = vector.shape_cast %get3A_675 : vector<1x16xf32> to vector<16xf32>
        %add3A_677 = arith.addf %add3A_670, %get3A_676 : vector<16xf32>
        %add3A_678 = arith.constant 12 : i32
        %add3A_679 = arith.addi %mul3A_28, %add3A_678 : i32
        %get3A_680 = arith.index_cast %add3A_679 : i32 to index
        %get3A_681 = arith.constant 80 : index
        %get3A_682 = tpu.vector_load %arg7[%get3A_680, %get3A_681] {strides = array<i32>} : memref<128x256xf32, #tpu.memory_space<vmem>>, vector<1x16xf32>,
        %get3A_683 = vector.shape_cast %get3A_682 : vector<1x16xf32> to vector<16xf32>
        %add3A_684 = arith.addf %add3A_677, %get3A_683 : vector<16xf32>
        %add3A_685 = arith.constant 13 : i32
        %add3A_686 = arith.addi %mul3A_28, %add3A_685 : i32
        %get3A_687 = arith.index_cast %add3A_686 : i32 to index
        %get3A_688 = arith.constant 80 : index
        %get3A_689 = tpu.vector_load %arg7[%get3A_687, %get3A_688] {strides = array<i32>} : memref<128x256xf32, #tpu.memory_space<vmem>>, vector<1x16xf32>,
        %get3A_690 = vector.shape_cast %get3A_689 : vector<1x16xf32> to vector<16xf32>
        %add3A_691 = arith.addf %add3A_684, %get3A_690 : vector<16xf32>
        %add3A_692 = arith.constant 14 : i32
        %add3A_693 = arith.addi %mul3A_28, %add3A_692 : i32
        %get3A_694 = arith.index_cast %add3A_693 : i32 to index
        %get3A_695 = arith.constant 80 : index
        %get3A_696 = tpu.vector_load %arg7[%get3A_694, %get3A_695] {strides = array<i32>} : memref<128x256xf32, #tpu.memory_space<vmem>>, vector<1x16xf32>,
        %get3A_697 = vector.shape_cast %get3A_696 : vector<1x16xf32> to vector<16xf32>
        %add3A_698 = arith.addf %add3A_691, %get3A_697 : vector<16xf32>
        %add3A_699 = arith.constant 15 : i32
        %add3A_700 = arith.addi %mul3A_28, %add3A_699 : i32
        %get3A_701 = arith.index_cast %add3A_700 : i32 to index
        %get3A_702 = arith.constant 80 : index
        %get3A_703 = tpu.vector_load %arg7[%get3A_701, %get3A_702] {strides = array<i32>} : memref<128x256xf32, #tpu.memory_space<vmem>>, vector<1x16xf32>,
        %get3A_704 = vector.shape_cast %get3A_703 : vector<1x16xf32> to vector<16xf32>
        %add3A_705 = arith.addf %add3A_698, %get3A_704 : vector<16xf32>
        %swap3A_706 = arith.index_cast %scan3A_26 : i32 to index
        %swap3A_707 = arith.constant 80 : index
        %swap3A_708 = tpu.vector_load %arg8[%swap3A_706, %swap3A_707] {strides = array<i32>} : memref<8x256xf32, #tpu.memory_space<vmem>>, vector<1x16xf32>,
        %swap3A_709 = vector.shape_cast %swap3A_708 : vector<1x16xf32> to vector<16xf32>
        %swap3A_710 = vector.shape_cast %add3A_705 : vector<16xf32> to vector<1x16xf32>
        tpu.vector_store %arg8[%swap3A_706, %swap3A_707], %swap3A_710 {strides = array<i32>} : memref<8x256xf32, #tpu.memory_space<vmem>>, vector<1x16xf32>,
        %get3A_711 = arith.index_cast %mul3A_28 : i32 to index
        %get3A_712 = arith.constant 96 : index
        %get3A_713 = tpu.vector_load %arg7[%get3A_711, %get3A_712] {strides = array<i32>} : memref<128x256xf32, #tpu.memory_space<vmem>>, vector<1x16xf32>,
        %get3A_714 = vector.shape_cast %get3A_713 : vector<1x16xf32> to vector<16xf32>
        %add3A_715 = arith.constant 1 : i32
        %add3A_716 = arith.addi %mul3A_28, %add3A_715 : i32
        %get3A_717 = arith.index_cast %add3A_716 : i32 to index
        %get3A_718 = arith.constant 96 : index
        %get3A_719 = tpu.vector_load %arg7[%get3A_717, %get3A_718] {strides = array<i32>} : memref<128x256xf32, #tpu.memory_space<vmem>>, vector<1x16xf32>,
        %get3A_720 = vector.shape_cast %get3A_719 : vector<1x16xf32> to vector<16xf32>
        %add3A_721 = arith.addf %get3A_714, %get3A_720 : vector<16xf32>
        %add3A_722 = arith.constant 2 : i32
        %add3A_723 = arith.addi %mul3A_28, %add3A_722 : i32
        %get3A_724 = arith.index_cast %add3A_723 : i32 to index
        %get3A_725 = arith.constant 96 : index
        %get3A_726 = tpu.vector_load %arg7[%get3A_724, %get3A_725] {strides = array<i32>} : memref<128x256xf32, #tpu.memory_space<vmem>>, vector<1x16xf32>,
        %get3A_727 = vector.shape_cast %get3A_726 : vector<1x16xf32> to vector<16xf32>
        %add3A_728 = arith.addf %add3A_721, %get3A_727 : vector<16xf32>
        %add3A_729 = arith.constant 3 : i32
        %add3A_730 = arith.addi %mul3A_28, %add3A_729 : i32
        %get3A_731 = arith.index_cast %add3A_730 : i32 to index
        %get3A_732 = arith.constant 96 : index
        %get3A_733 = tpu.vector_load %arg7[%get3A_731, %get3A_732] {strides = array<i32>} : memref<128x256xf32, #tpu.memory_space<vmem>>, vector<1x16xf32>,
        %get3A_734 = vector.shape_cast %get3A_733 : vector<1x16xf32> to vector<16xf32>
        %add3A_735 = arith.addf %add3A_728, %get3A_734 : vector<16xf32>
        %add3A_736 = arith.constant 4 : i32
        %add3A_737 = arith.addi %mul3A_28, %add3A_736 : i32
        %get3A_738 = arith.index_cast %add3A_737 : i32 to index
        %get3A_739 = arith.constant 96 : index
        %get3A_740 = tpu.vector_load %arg7[%get3A_738, %get3A_739] {strides = array<i32>} : memref<128x256xf32, #tpu.memory_space<vmem>>, vector<1x16xf32>,
        %get3A_741 = vector.shape_cast %get3A_740 : vector<1x16xf32> to vector<16xf32>
        %add3A_742 = arith.addf %add3A_735, %get3A_741 : vector<16xf32>
        %add3A_743 = arith.constant 5 : i32
        %add3A_744 = arith.addi %mul3A_28, %add3A_743 : i32
        %get3A_745 = arith.index_cast %add3A_744 : i32 to index
        %get3A_746 = arith.constant 96 : index
        %get3A_747 = tpu.vector_load %arg7[%get3A_745, %get3A_746] {strides = array<i32>} : memref<128x256xf32, #tpu.memory_space<vmem>>, vector<1x16xf32>,
        %get3A_748 = vector.shape_cast %get3A_747 : vector<1x16xf32> to vector<16xf32>
        %add3A_749 = arith.addf %add3A_742, %get3A_748 : vector<16xf32>
        %add3A_750 = arith.constant 6 : i32
        %add3A_751 = arith.addi %mul3A_28, %add3A_750 : i32
        %get3A_752 = arith.index_cast %add3A_751 : i32 to index
        %get3A_753 = arith.constant 96 : index
        %get3A_754 = tpu.vector_load %arg7[%get3A_752, %get3A_753] {strides = array<i32>} : memref<128x256xf32, #tpu.memory_space<vmem>>, vector<1x16xf32>,
        %get3A_755 = vector.shape_cast %get3A_754 : vector<1x16xf32> to vector<16xf32>
        %add3A_756 = arith.addf %add3A_749, %get3A_755 : vector<16xf32>
        %add3A_757 = arith.constant 7 : i32
        %add3A_758 = arith.addi %mul3A_28, %add3A_757 : i32
        %get3A_759 = arith.index_cast %add3A_758 : i32 to index
        %get3A_760 = arith.constant 96 : index
        %get3A_761 = tpu.vector_load %arg7[%get3A_759, %get3A_760] {strides = array<i32>} : memref<128x256xf32, #tpu.memory_space<vmem>>, vector<1x16xf32>,
        %get3A_762 = vector.shape_cast %get3A_761 : vector<1x16xf32> to vector<16xf32>
        %add3A_763 = arith.addf %add3A_756, %get3A_762 : vector<16xf32>
        %add3A_764 = arith.constant 8 : i32
        %add3A_765 = arith.addi %mul3A_28, %add3A_764 : i32
        %get3A_766 = arith.index_cast %add3A_765 : i32 to index
        %get3A_767 = arith.constant 96 : index
        %get3A_768 = tpu.vector_load %arg7[%get3A_766, %get3A_767] {strides = array<i32>} : memref<128x256xf32, #tpu.memory_space<vmem>>, vector<1x16xf32>,
        %get3A_769 = vector.shape_cast %get3A_768 : vector<1x16xf32> to vector<16xf32>
        %add3A_770 = arith.addf %add3A_763, %get3A_769 : vector<16xf32>
        %add3A_771 = arith.constant 9 : i32
        %add3A_772 = arith.addi %mul3A_28, %add3A_771 : i32
        %get3A_773 = arith.index_cast %add3A_772 : i32 to index
        %get3A_774 = arith.constant 96 : index
        %get3A_775 = tpu.vector_load %arg7[%get3A_773, %get3A_774] {strides = array<i32>} : memref<128x256xf32, #tpu.memory_space<vmem>>, vector<1x16xf32>,
        %get3A_776 = vector.shape_cast %get3A_775 : vector<1x16xf32> to vector<16xf32>
        %add3A_777 = arith.addf %add3A_770, %get3A_776 : vector<16xf32>
        %add3A_778 = arith.constant 10 : i32
        %add3A_779 = arith.addi %mul3A_28, %add3A_778 : i32
        %get3A_780 = arith.index_cast %add3A_779 : i32 to index
        %get3A_781 = arith.constant 96 : index
        %get3A_782 = tpu.vector_load %arg7[%get3A_780, %get3A_781] {strides = array<i32>} : memref<128x256xf32, #tpu.memory_space<vmem>>, vector<1x16xf32>,
        %get3A_783 = vector.shape_cast %get3A_782 : vector<1x16xf32> to vector<16xf32>
        %add3A_784 = arith.addf %add3A_777, %get3A_783 : vector<16xf32>
        %add3A_785 = arith.constant 11 : i32
        %add3A_786 = arith.addi %mul3A_28, %add3A_785 : i32
        %get3A_787 = arith.index_cast %add3A_786 : i32 to index
        %get3A_788 = arith.constant 96 : index
        %get3A_789 = tpu.vector_load %arg7[%get3A_787, %get3A_788] {strides = array<i32>} : memref<128x256xf32, #tpu.memory_space<vmem>>, vector<1x16xf32>,
        %get3A_790 = vector.shape_cast %get3A_789 : vector<1x16xf32> to vector<16xf32>
        %add3A_791 = arith.addf %add3A_784, %get3A_790 : vector<16xf32>
        %add3A_792 = arith.constant 12 : i32
        %add3A_793 = arith.addi %mul3A_28, %add3A_792 : i32
        %get3A_794 = arith.index_cast %add3A_793 : i32 to index
        %get3A_795 = arith.constant 96 : index
        %get3A_796 = tpu.vector_load %arg7[%get3A_794, %get3A_795] {strides = array<i32>} : memref<128x256xf32, #tpu.memory_space<vmem>>, vector<1x16xf32>,
        %get3A_797 = vector.shape_cast %get3A_796 : vector<1x16xf32> to vector<16xf32>
        %add3A_798 = arith.addf %add3A_791, %get3A_797 : vector<16xf32>
        %add3A_799 = arith.constant 13 : i32
        %add3A_800 = arith.addi %mul3A_28, %add3A_799 : i32
        %get3A_801 = arith.index_cast %add3A_800 : i32 to index
        %get3A_802 = arith.constant 96 : index
        %get3A_803 = tpu.vector_load %arg7[%get3A_801, %get3A_802] {strides = array<i32>} : memref<128x256xf32, #tpu.memory_space<vmem>>, vector<1x16xf32>,
        %get3A_804 = vector.shape_cast %get3A_803 : vector<1x16xf32> to vector<16xf32>
        %add3A_805 = arith.addf %add3A_798, %get3A_804 : vector<16xf32>
        %add3A_806 = arith.constant 14 : i32
        %add3A_807 = arith.addi %mul3A_28, %add3A_806 : i32
        %get3A_808 = arith.index_cast %add3A_807 : i32 to index
        %get3A_809 = arith.constant 96 : index
        %get3A_810 = tpu.vector_load %arg7[%get3A_808, %get3A_809] {strides = array<i32>} : memref<128x256xf32, #tpu.memory_space<vmem>>, vector<1x16xf32>,
        %get3A_811 = vector.shape_cast %get3A_810 : vector<1x16xf32> to vector<16xf32>
        %add3A_812 = arith.addf %add3A_805, %get3A_811 : vector<16xf32>
        %add3A_813 = arith.constant 15 : i32
        %add3A_814 = arith.addi %mul3A_28, %add3A_813 : i32
        %get3A_815 = arith.index_cast %add3A_814 : i32 to index
        %get3A_816 = arith.constant 96 : index
        %get3A_817 = tpu.vector_load %arg7[%get3A_815, %get3A_816] {strides = array<i32>} : memref<128x256xf32, #tpu.memory_space<vmem>>, vector<1x16xf32>,
        %get3A_818 = vector.shape_cast %get3A_817 : vector<1x16xf32> to vector<16xf32>
        %add3A_819 = arith.addf %add3A_812, %get3A_818 : vector<16xf32>
        %swap3A_820 = arith.index_cast %scan3A_26 : i32 to index
        %swap3A_821 = arith.constant 96 : index
        %swap3A_822 = tpu.vector_load %arg8[%swap3A_820, %swap3A_821] {strides = array<i32>} : memref<8x256xf32, #tpu.memory_space<vmem>>, vector<1x16xf32>,
        %swap3A_823 = vector.shape_cast %swap3A_822 : vector<1x16xf32> to vector<16xf32>
        %swap3A_824 = vector.shape_cast %add3A_819 : vector<16xf32> to vector<1x16xf32>
        tpu.vector_store %arg8[%swap3A_820, %swap3A_821], %swap3A_824 {strides = array<i32>} : memref<8x256xf32, #tpu.memory_space<vmem>>, vector<1x16xf32>,
        %get3A_825 = arith.index_cast %mul3A_28 : i32 to index
        %get3A_826 = arith.constant 112 : index
        %get3A_827 = tpu.vector_load %arg7[%get3A_825, %get3A_826] {strides = array<i32>} : memref<128x256xf32, #tpu.memory_space<vmem>>, vector<1x16xf32>,
        %get3A_828 = vector.shape_cast %get3A_827 : vector<1x16xf32> to vector<16xf32>
        %add3A_829 = arith.constant 1 : i32
        %add3A_830 = arith.addi %mul3A_28, %add3A_829 : i32
        %get3A_831 = arith.index_cast %add3A_830 : i32 to index
        %get3A_832 = arith.constant 112 : index
        %get3A_833 = tpu.vector_load %arg7[%get3A_831, %get3A_832] {strides = array<i32>} : memref<128x256xf32, #tpu.memory_space<vmem>>, vector<1x16xf32>,
        %get3A_834 = vector.shape_cast %get3A_833 : vector<1x16xf32> to vector<16xf32>
        %add3A_835 = arith.addf %get3A_828, %get3A_834 : vector<16xf32>
        %add3A_836 = arith.constant 2 : i32
        %add3A_837 = arith.addi %mul3A_28, %add3A_836 : i32
        %get3A_838 = arith.index_cast %add3A_837 : i32 to index
        %get3A_839 = arith.constant 112 : index
        %get3A_840 = tpu.vector_load %arg7[%get3A_838, %get3A_839] {strides = array<i32>} : memref<128x256xf32, #tpu.memory_space<vmem>>, vector<1x16xf32>,
        %get3A_841 = vector.shape_cast %get3A_840 : vector<1x16xf32> to vector<16xf32>
        %add3A_842 = arith.addf %add3A_835, %get3A_841 : vector<16xf32>
        %add3A_843 = arith.constant 3 : i32
        %add3A_844 = arith.addi %mul3A_28, %add3A_843 : i32
        %get3A_845 = arith.index_cast %add3A_844 : i32 to index
        %get3A_846 = arith.constant 112 : index
        %get3A_847 = tpu.vector_load %arg7[%get3A_845, %get3A_846] {strides = array<i32>} : memref<128x256xf32, #tpu.memory_space<vmem>>, vector<1x16xf32>,
        %get3A_848 = vector.shape_cast %get3A_847 : vector<1x16xf32> to vector<16xf32>
        %add3A_849 = arith.addf %add3A_842, %get3A_848 : vector<16xf32>
        %add3A_850 = arith.constant 4 : i32
        %add3A_851 = arith.addi %mul3A_28, %add3A_850 : i32
        %get3A_852 = arith.index_cast %add3A_851 : i32 to index
        %get3A_853 = arith.constant 112 : index
        %get3A_854 = tpu.vector_load %arg7[%get3A_852, %get3A_853] {strides = array<i32>} : memref<128x256xf32, #tpu.memory_space<vmem>>, vector<1x16xf32>,
        %get3A_855 = vector.shape_cast %get3A_854 : vector<1x16xf32> to vector<16xf32>
        %add3A_856 = arith.addf %add3A_849, %get3A_855 : vector<16xf32>
        %add3A_857 = arith.constant 5 : i32
        %add3A_858 = arith.addi %mul3A_28, %add3A_857 : i32
        %get3A_859 = arith.index_cast %add3A_858 : i32 to index
        %get3A_860 = arith.constant 112 : index
        %get3A_861 = tpu.vector_load %arg7[%get3A_859, %get3A_860] {strides = array<i32>} : memref<128x256xf32, #tpu.memory_space<vmem>>, vector<1x16xf32>,
        %get3A_862 = vector.shape_cast %get3A_861 : vector<1x16xf32> to vector<16xf32>
        %add3A_863 = arith.addf %add3A_856, %get3A_862 : vector<16xf32>
        %add3A_864 = arith.constant 6 : i32
        %add3A_865 = arith.addi %mul3A_28, %add3A_864 : i32
        %get3A_866 = arith.index_cast %add3A_865 : i32 to index
        %get3A_867 = arith.constant 112 : index
        %get3A_868 = tpu.vector_load %arg7[%get3A_866, %get3A_867] {strides = array<i32>} : memref<128x256xf32, #tpu.memory_space<vmem>>, vector<1x16xf32>,
        %get3A_869 = vector.shape_cast %get3A_868 : vector<1x16xf32> to vector<16xf32>
        %add3A_870 = arith.addf %add3A_863, %get3A_869 : vector<16xf32>
        %add3A_871 = arith.constant 7 : i32
        %add3A_872 = arith.addi %mul3A_28, %add3A_871 : i32
        %get3A_873 = arith.index_cast %add3A_872 : i32 to index
        %get3A_874 = arith.constant 112 : index
        %get3A_875 = tpu.vector_load %arg7[%get3A_873, %get3A_874] {strides = array<i32>} : memref<128x256xf32, #tpu.memory_space<vmem>>, vector<1x16xf32>,
        %get3A_876 = vector.shape_cast %get3A_875 : vector<1x16xf32> to vector<16xf32>
        %add3A_877 = arith.addf %add3A_870, %get3A_876 : vector<16xf32>
        %add3A_878 = arith.constant 8 : i32
        %add3A_879 = arith.addi %mul3A_28, %add3A_878 : i32
        %get3A_880 = arith.index_cast %add3A_879 : i32 to index
        %get3A_881 = arith.constant 112 : index
        %get3A_882 = tpu.vector_load %arg7[%get3A_880, %get3A_881] {strides = array<i32>} : memref<128x256xf32, #tpu.memory_space<vmem>>, vector<1x16xf32>,
        %get3A_883 = vector.shape_cast %get3A_882 : vector<1x16xf32> to vector<16xf32>
        %add3A_884 = arith.addf %add3A_877, %get3A_883 : vector<16xf32>
        %add3A_885 = arith.constant 9 : i32
        %add3A_886 = arith.addi %mul3A_28, %add3A_885 : i32
        %get3A_887 = arith.index_cast %add3A_886 : i32 to index
        %get3A_888 = arith.constant 112 : index
        %get3A_889 = tpu.vector_load %arg7[%get3A_887, %get3A_888] {strides = array<i32>} : memref<128x256xf32, #tpu.memory_space<vmem>>, vector<1x16xf32>,
        %get3A_890 = vector.shape_cast %get3A_889 : vector<1x16xf32> to vector<16xf32>
        %add3A_891 = arith.addf %add3A_884, %get3A_890 : vector<16xf32>
        %add3A_892 = arith.constant 10 : i32
        %add3A_893 = arith.addi %mul3A_28, %add3A_892 : i32
        %get3A_894 = arith.index_cast %add3A_893 : i32 to index
        %get3A_895 = arith.constant 112 : index
        %get3A_896 = tpu.vector_load %arg7[%get3A_894, %get3A_895] {strides = array<i32>} : memref<128x256xf32, #tpu.memory_space<vmem>>, vector<1x16xf32>,
        %get3A_897 = vector.shape_cast %get3A_896 : vector<1x16xf32> to vector<16xf32>
        %add3A_898 = arith.addf %add3A_891, %get3A_897 : vector<16xf32>
        %add3A_899 = arith.constant 11 : i32
        %add3A_900 = arith.addi %mul3A_28, %add3A_899 : i32
        %get3A_901 = arith.index_cast %add3A_900 : i32 to index
        %get3A_902 = arith.constant 112 : index
        %get3A_903 = tpu.vector_load %arg7[%get3A_901, %get3A_902] {strides = array<i32>} : memref<128x256xf32, #tpu.memory_space<vmem>>, vector<1x16xf32>,
        %get3A_904 = vector.shape_cast %get3A_903 : vector<1x16xf32> to vector<16xf32>
        %add3A_905 = arith.addf %add3A_898, %get3A_904 : vector<16xf32>
        %add3A_906 = arith.constant 12 : i32
        %add3A_907 = arith.addi %mul3A_28, %add3A_906 : i32
        %get3A_908 = arith.index_cast %add3A_907 : i32 to index
        %get3A_909 = arith.constant 112 : index
        %get3A_910 = tpu.vector_load %arg7[%get3A_908, %get3A_909] {strides = array<i32>} : memref<128x256xf32, #tpu.memory_space<vmem>>, vector<1x16xf32>,
        %get3A_911 = vector.shape_cast %get3A_910 : vector<1x16xf32> to vector<16xf32>
        %add3A_912 = arith.addf %add3A_905, %get3A_911 : vector<16xf32>
        %add3A_913 = arith.constant 13 : i32
        %add3A_914 = arith.addi %mul3A_28, %add3A_913 : i32
        %get3A_915 = arith.index_cast %add3A_914 : i32 to index
        %get3A_916 = arith.constant 112 : index
        %get3A_917 = tpu.vector_load %arg7[%get3A_915, %get3A_916] {strides = array<i32>} : memref<128x256xf32, #tpu.memory_space<vmem>>, vector<1x16xf32>,
        %get3A_918 = vector.shape_cast %get3A_917 : vector<1x16xf32> to vector<16xf32>
        %add3A_919 = arith.addf %add3A_912, %get3A_918 : vector<16xf32>
        %add3A_920 = arith.constant 14 : i32
        %add3A_921 = arith.addi %mul3A_28, %add3A_920 : i32
        %get3A_922 = arith.index_cast %add3A_921 : i32 to index
        %get3A_923 = arith.constant 112 : index
        %get3A_924 = tpu.vector_load %arg7[%get3A_922, %get3A_923] {strides = array<i32>} : memref<128x256xf32, #tpu.memory_space<vmem>>, vector<1x16xf32>,
        %get3A_925 = vector.shape_cast %get3A_924 : vector<1x16xf32> to vector<16xf32>
        %add3A_926 = arith.addf %add3A_919, %get3A_925 : vector<16xf32>
        %add3A_927 = arith.constant 15 : i32
        %add3A_928 = arith.addi %mul3A_28, %add3A_927 : i32
        %get3A_929 = arith.index_cast %add3A_928 : i32 to index
        %get3A_930 = arith.constant 112 : index
        %get3A_931 = tpu.vector_load %arg7[%get3A_929, %get3A_930] {strides = array<i32>} : memref<128x256xf32, #tpu.memory_space<vmem>>, vector<1x16xf32>,
        %get3A_932 = vector.shape_cast %get3A_931 : vector<1x16xf32> to vector<16xf32>
        %add3A_933 = arith.addf %add3A_926, %get3A_932 : vector<16xf32>
        %swap3A_934 = arith.index_cast %scan3A_26 : i32 to index
        %swap3A_935 = arith.constant 112 : index
        %swap3A_936 = tpu.vector_load %arg8[%swap3A_934, %swap3A_935] {strides = array<i32>} : memref<8x256xf32, #tpu.memory_space<vmem>>, vector<1x16xf32>,
        %swap3A_937 = vector.shape_cast %swap3A_936 : vector<1x16xf32> to vector<16xf32>
        %swap3A_938 = vector.shape_cast %add3A_933 : vector<16xf32> to vector<1x16xf32>
        tpu.vector_store %arg8[%swap3A_934, %swap3A_935], %swap3A_938 {strides = array<i32>} : memref<8x256xf32, #tpu.memory_space<vmem>>, vector<1x16xf32>,
        %get3A_939 = arith.index_cast %mul3A_28 : i32 to index
        %get3A_940 = arith.constant 128 : index
        %get3A_941 = tpu.vector_load %arg7[%get3A_939, %get3A_940] {strides = array<i32>} : memref<128x256xf32, #tpu.memory_space<vmem>>, vector<1x16xf32>,
        %get3A_942 = vector.shape_cast %get3A_941 : vector<1x16xf32> to vector<16xf32>
        %add3A_943 = arith.constant 1 : i32
        %add3A_944 = arith.addi %mul3A_28, %add3A_943 : i32
        %get3A_945 = arith.index_cast %add3A_944 : i32 to index
        %get3A_946 = arith.constant 128 : index
        %get3A_947 = tpu.vector_load %arg7[%get3A_945, %get3A_946] {strides = array<i32>} : memref<128x256xf32, #tpu.memory_space<vmem>>, vector<1x16xf32>,
        %get3A_948 = vector.shape_cast %get3A_947 : vector<1x16xf32> to vector<16xf32>
        %add3A_949 = arith.addf %get3A_942, %get3A_948 : vector<16xf32>
        %add3A_950 = arith.constant 2 : i32
        %add3A_951 = arith.addi %mul3A_28, %add3A_950 : i32
        %get3A_952 = arith.index_cast %add3A_951 : i32 to index
        %get3A_953 = arith.constant 128 : index
        %get3A_954 = tpu.vector_load %arg7[%get3A_952, %get3A_953] {strides = array<i32>} : memref<128x256xf32, #tpu.memory_space<vmem>>, vector<1x16xf32>,
        %get3A_955 = vector.shape_cast %get3A_954 : vector<1x16xf32> to vector<16xf32>
        %add3A_956 = arith.addf %add3A_949, %get3A_955 : vector<16xf32>
        %add3A_957 = arith.constant 3 : i32
        %add3A_958 = arith.addi %mul3A_28, %add3A_957 : i32
        %get3A_959 = arith.index_cast %add3A_958 : i32 to index
        %get3A_960 = arith.constant 128 : index
        %get3A_961 = tpu.vector_load %arg7[%get3A_959, %get3A_960] {strides = array<i32>} : memref<128x256xf32, #tpu.memory_space<vmem>>, vector<1x16xf32>,
        %get3A_962 = vector.shape_cast %get3A_961 : vector<1x16xf32> to vector<16xf32>
        %add3A_963 = arith.addf %add3A_956, %get3A_962 : vector<16xf32>
        %add3A_964 = arith.constant 4 : i32
        %add3A_965 = arith.addi %mul3A_28, %add3A_964 : i32
        %get3A_966 = arith.index_cast %add3A_965 : i32 to index
        %get3A_967 = arith.constant 128 : index
        %get3A_968 = tpu.vector_load %arg7[%get3A_966, %get3A_967] {strides = array<i32>} : memref<128x256xf32, #tpu.memory_space<vmem>>, vector<1x16xf32>,
        %get3A_969 = vector.shape_cast %get3A_968 : vector<1x16xf32> to vector<16xf32>
        %add3A_970 = arith.addf %add3A_963, %get3A_969 : vector<16xf32>
        %add3A_971 = arith.constant 5 : i32
        %add3A_972 = arith.addi %mul3A_28, %add3A_971 : i32
        %get3A_973 = arith.index_cast %add3A_972 : i32 to index
        %get3A_974 = arith.constant 128 : index
        %get3A_975 = tpu.vector_load %arg7[%get3A_973, %get3A_974] {strides = array<i32>} : memref<128x256xf32, #tpu.memory_space<vmem>>, vector<1x16xf32>,
        %get3A_976 = vector.shape_cast %get3A_975 : vector<1x16xf32> to vector<16xf32>
        %add3A_977 = arith.addf %add3A_970, %get3A_976 : vector<16xf32>
        %add3A_978 = arith.constant 6 : i32
        %add3A_979 = arith.addi %mul3A_28, %add3A_978 : i32
        %get3A_980 = arith.index_cast %add3A_979 : i32 to index
        %get3A_981 = arith.constant 128 : index
        %get3A_982 = tpu.vector_load %arg7[%get3A_980, %get3A_981] {strides = array<i32>} : memref<128x256xf32, #tpu.memory_space<vmem>>, vector<1x16xf32>,
        %get3A_983 = vector.shape_cast %get3A_982 : vector<1x16xf32> to vector<16xf32>
        %add3A_984 = arith.addf %add3A_977, %get3A_983 : vector<16xf32>
        %add3A_985 = arith.constant 7 : i32
        %add3A_986 = arith.addi %mul3A_28, %add3A_985 : i32
        %get3A_987 = arith.index_cast %add3A_986 : i32 to index
        %get3A_988 = arith.constant 128 : index
        %get3A_989 = tpu.vector_load %arg7[%get3A_987, %get3A_988] {strides = array<i32>} : memref<128x256xf32, #tpu.memory_space<vmem>>, vector<1x16xf32>,
        %get3A_990 = vector.shape_cast %get3A_989 : vector<1x16xf32> to vector<16xf32>
        %add3A_991 = arith.addf %add3A_984, %get3A_990 : vector<16xf32>
        %add3A_992 = arith.constant 8 : i32
        %add3A_993 = arith.addi %mul3A_28, %add3A_992 : i32
        %get3A_994 = arith.index_cast %add3A_993 : i32 to index
        %get3A_995 = arith.constant 128 : index
        %get3A_996 = tpu.vector_load %arg7[%get3A_994, %get3A_995] {strides = array<i32>} : memref<128x256xf32, #tpu.memory_space<vmem>>, vector<1x16xf32>,
        %get3A_997 = vector.shape_cast %get3A_996 : vector<1x16xf32> to vector<16xf32>
        %add3A_998 = arith.addf %add3A_991, %get3A_997 : vector<16xf32>
        %add3A_999 = arith.constant 9 : i32
        %add3A_1000 = arith.addi %mul3A_28, %add3A_999 : i32
        %get3A_1001 = arith.index_cast %add3A_1000 : i32 to index
        %get3A_1002 = arith.constant 128 : index
        %get3A_1003 = tpu.vector_load %arg7[%get3A_1001, %get3A_1002] {strides = array<i32>} : memref<128x256xf32, #tpu.memory_space<vmem>>, vector<1x16xf32>,
        %get3A_1004 = vector.shape_cast %get3A_1003 : vector<1x16xf32> to vector<16xf32>
        %add3A_1005 = arith.addf %add3A_998, %get3A_1004 : vector<16xf32>
        %add3A_1006 = arith.constant 10 : i32
        %add3A_1007 = arith.addi %mul3A_28, %add3A_1006 : i32
        %get3A_1008 = arith.index_cast %add3A_1007 : i32 to index
        %get3A_1009 = arith.constant 128 : index
        %get3A_1010 = tpu.vector_load %arg7[%get3A_1008, %get3A_1009] {strides = array<i32>} : memref<128x256xf32, #tpu.memory_space<vmem>>, vector<1x16xf32>,
        %get3A_1011 = vector.shape_cast %get3A_1010 : vector<1x16xf32> to vector<16xf32>
        %add3A_1012 = arith.addf %add3A_1005, %get3A_1011 : vector<16xf32>
        %add3A_1013 = arith.constant 11 : i32
        %add3A_1014 = arith.addi %mul3A_28, %add3A_1013 : i32
        %get3A_1015 = arith.index_cast %add3A_1014 : i32 to index
        %get3A_1016 = arith.constant 128 : index
        %get3A_1017 = tpu.vector_load %arg7[%get3A_1015, %get3A_1016] {strides = array<i32>} : memref<128x256xf32, #tpu.memory_space<vmem>>, vector<1x16xf32>,
        %get3A_1018 = vector.shape_cast %get3A_1017 : vector<1x16xf32> to vector<16xf32>
        %add3A_1019 = arith.addf %add3A_1012, %get3A_1018 : vector<16xf32>
        %add3A_1020 = arith.constant 12 : i32
        %add3A_1021 = arith.addi %mul3A_28, %add3A_1020 : i32
        %get3A_1022 = arith.index_cast %add3A_1021 : i32 to index
        %get3A_1023 = arith.constant 128 : index
        %get3A_1024 = tpu.vector_load %arg7[%get3A_1022, %get3A_1023] {strides = array<i32>} : memref<128x256xf32, #tpu.memory_space<vmem>>, vector<1x16xf32>,
        %get3A_1025 = vector.shape_cast %get3A_1024 : vector<1x16xf32> to vector<16xf32>
        %add3A_1026 = arith.addf %add3A_1019, %get3A_1025 : vector<16xf32>
        %add3A_1027 = arith.constant 13 : i32
        %add3A_1028 = arith.addi %mul3A_28, %add3A_1027 : i32
        %get3A_1029 = arith.index_cast %add3A_1028 : i32 to index
        %get3A_1030 = arith.constant 128 : index
        %get3A_1031 = tpu.vector_load %arg7[%get3A_1029, %get3A_1030] {strides = array<i32>} : memref<128x256xf32, #tpu.memory_space<vmem>>, vector<1x16xf32>,
        %get3A_1032 = vector.shape_cast %get3A_1031 : vector<1x16xf32> to vector<16xf32>
        %add3A_1033 = arith.addf %add3A_1026, %get3A_1032 : vector<16xf32>
        %add3A_1034 = arith.constant 14 : i32
        %add3A_1035 = arith.addi %mul3A_28, %add3A_1034 : i32
        %get3A_1036 = arith.index_cast %add3A_1035 : i32 to index
        %get3A_1037 = arith.constant 128 : index
        %get3A_1038 = tpu.vector_load %arg7[%get3A_1036, %get3A_1037] {strides = array<i32>} : memref<128x256xf32, #tpu.memory_space<vmem>>, vector<1x16xf32>,
        %get3A_1039 = vector.shape_cast %get3A_1038 : vector<1x16xf32> to vector<16xf32>
        %add3A_1040 = arith.addf %add3A_1033, %get3A_1039 : vector<16xf32>
        %add3A_1041 = arith.constant 15 : i32
        %add3A_1042 = arith.addi %mul3A_28, %add3A_1041 : i32
        %get3A_1043 = arith.index_cast %add3A_1042 : i32 to index
        %get3A_1044 = arith.constant 128 : index
        %get3A_1045 = tpu.vector_load %arg7[%get3A_1043, %get3A_1044] {strides = array<i32>} : memref<128x256xf32, #tpu.memory_space<vmem>>, vector<1x16xf32>,
        %get3A_1046 = vector.shape_cast %get3A_1045 : vector<1x16xf32> to vector<16xf32>
        %add3A_1047 = arith.addf %add3A_1040, %get3A_1046 : vector<16xf32>
        %swap3A_1048 = arith.index_cast %scan3A_26 : i32 to index
        %swap3A_1049 = arith.constant 128 : index
        %swap3A_1050 = tpu.vector_load %arg8[%swap3A_1048, %swap3A_1049] {strides = array<i32>} : memref<8x256xf32, #tpu.memory_space<vmem>>, vector<1x16xf32>,
        %swap3A_1051 = vector.shape_cast %swap3A_1050 : vector<1x16xf32> to vector<16xf32>
        %swap3A_1052 = vector.shape_cast %add3A_1047 : vector<16xf32> to vector<1x16xf32>
        tpu.vector_store %arg8[%swap3A_1048, %swap3A_1049], %swap3A_1052 {strides = array<i32>} : memref<8x256xf32, #tpu.memory_space<vmem>>, vector<1x16xf32>,
        %get3A_1053 = arith.index_cast %mul3A_28 : i32 to index
        %get3A_1054 = arith.constant 144 : index
        %get3A_1055 = tpu.vector_load %arg7[%get3A_1053, %get3A_1054] {strides = array<i32>} : memref<128x256xf32, #tpu.memory_space<vmem>>, vector<1x16xf32>,
        %get3A_1056 = vector.shape_cast %get3A_1055 : vector<1x16xf32> to vector<16xf32>
        %add3A_1057 = arith.constant 1 : i32
        %add3A_1058 = arith.addi %mul3A_28, %add3A_1057 : i32
        %get3A_1059 = arith.index_cast %add3A_1058 : i32 to index
        %get3A_1060 = arith.constant 144 : index
        %get3A_1061 = tpu.vector_load %arg7[%get3A_1059, %get3A_1060] {strides = array<i32>} : memref<128x256xf32, #tpu.memory_space<vmem>>, vector<1x16xf32>,
        %get3A_1062 = vector.shape_cast %get3A_1061 : vector<1x16xf32> to vector<16xf32>
        %add3A_1063 = arith.addf %get3A_1056, %get3A_1062 : vector<16xf32>
        %add3A_1064 = arith.constant 2 : i32
        %add3A_1065 = arith.addi %mul3A_28, %add3A_1064 : i32
        %get3A_1066 = arith.index_cast %add3A_1065 : i32 to index
        %get3A_1067 = arith.constant 144 : index
        %get3A_1068 = tpu.vector_load %arg7[%get3A_1066, %get3A_1067] {strides = array<i32>} : memref<128x256xf32, #tpu.memory_space<vmem>>, vector<1x16xf32>,
        %get3A_1069 = vector.shape_cast %get3A_1068 : vector<1x16xf32> to vector<16xf32>
        %add3A_1070 = arith.addf %add3A_1063, %get3A_1069 : vector<16xf32>
        %add3A_1071 = arith.constant 3 : i32
        %add3A_1072 = arith.addi %mul3A_28, %add3A_1071 : i32
        %get3A_1073 = arith.index_cast %add3A_1072 : i32 to index
        %get3A_1074 = arith.constant 144 : index
        %get3A_1075 = tpu.vector_load %arg7[%get3A_1073, %get3A_1074] {strides = array<i32>} : memref<128x256xf32, #tpu.memory_space<vmem>>, vector<1x16xf32>,
        %get3A_1076 = vector.shape_cast %get3A_1075 : vector<1x16xf32> to vector<16xf32>
        %add3A_1077 = arith.addf %add3A_1070, %get3A_1076 : vector<16xf32>
        %add3A_1078 = arith.constant 4 : i32
        %add3A_1079 = arith.addi %mul3A_28, %add3A_1078 : i32
        %get3A_1080 = arith.index_cast %add3A_1079 : i32 to index
        %get3A_1081 = arith.constant 144 : index
        %get3A_1082 = tpu.vector_load %arg7[%get3A_1080, %get3A_1081] {strides = array<i32>} : memref<128x256xf32, #tpu.memory_space<vmem>>, vector<1x16xf32>,
        %get3A_1083 = vector.shape_cast %get3A_1082 : vector<1x16xf32> to vector<16xf32>
        %add3A_1084 = arith.addf %add3A_1077, %get3A_1083 : vector<16xf32>
        %add3A_1085 = arith.constant 5 : i32
        %add3A_1086 = arith.addi %mul3A_28, %add3A_1085 : i32
        %get3A_1087 = arith.index_cast %add3A_1086 : i32 to index
        %get3A_1088 = arith.constant 144 : index
        %get3A_1089 = tpu.vector_load %arg7[%get3A_1087, %get3A_1088] {strides = array<i32>} : memref<128x256xf32, #tpu.memory_space<vmem>>, vector<1x16xf32>,
        %get3A_1090 = vector.shape_cast %get3A_1089 : vector<1x16xf32> to vector<16xf32>
        %add3A_1091 = arith.addf %add3A_1084, %get3A_1090 : vector<16xf32>
        %add3A_1092 = arith.constant 6 : i32
        %add3A_1093 = arith.addi %mul3A_28, %add3A_1092 : i32
        %get3A_1094 = arith.index_cast %add3A_1093 : i32 to index
        %get3A_1095 = arith.constant 144 : index
        %get3A_1096 = tpu.vector_load %arg7[%get3A_1094, %get3A_1095] {strides = array<i32>} : memref<128x256xf32, #tpu.memory_space<vmem>>, vector<1x16xf32>,
        %get3A_1097 = vector.shape_cast %get3A_1096 : vector<1x16xf32> to vector<16xf32>
        %add3A_1098 = arith.addf %add3A_1091, %get3A_1097 : vector<16xf32>
        %add3A_1099 = arith.constant 7 : i32
        %add3A_1100 = arith.addi %mul3A_28, %add3A_1099 : i32
        %get3A_1101 = arith.index_cast %add3A_1100 : i32 to index
        %get3A_1102 = arith.constant 144 : index
        %get3A_1103 = tpu.vector_load %arg7[%get3A_1101, %get3A_1102] {strides = array<i32>} : memref<128x256xf32, #tpu.memory_space<vmem>>, vector<1x16xf32>,
        %get3A_1104 = vector.shape_cast %get3A_1103 : vector<1x16xf32> to vector<16xf32>
        %add3A_1105 = arith.addf %add3A_1098, %get3A_1104 : vector<16xf32>
        %add3A_1106 = arith.constant 8 : i32
        %add3A_1107 = arith.addi %mul3A_28, %add3A_1106 : i32
        %get3A_1108 = arith.index_cast %add3A_1107 : i32 to index
        %get3A_1109 = arith.constant 144 : index
        %get3A_1110 = tpu.vector_load %arg7[%get3A_1108, %get3A_1109] {strides = array<i32>} : memref<128x256xf32, #tpu.memory_space<vmem>>, vector<1x16xf32>,
        %get3A_1111 = vector.shape_cast %get3A_1110 : vector<1x16xf32> to vector<16xf32>
        %add3A_1112 = arith.addf %add3A_1105, %get3A_1111 : vector<16xf32>
        %add3A_1113 = arith.constant 9 : i32
        %add3A_1114 = arith.addi %mul3A_28, %add3A_1113 : i32
        %get3A_1115 = arith.index_cast %add3A_1114 : i32 to index
        %get3A_1116 = arith.constant 144 : index
        %get3A_1117 = tpu.vector_load %arg7[%get3A_1115, %get3A_1116] {strides = array<i32>} : memref<128x256xf32, #tpu.memory_space<vmem>>, vector<1x16xf32>,
        %get3A_1118 = vector.shape_cast %get3A_1117 : vector<1x16xf32> to vector<16xf32>
        %add3A_1119 = arith.addf %add3A_1112, %get3A_1118 : vector<16xf32>
        %add3A_1120 = arith.constant 10 : i32
        %add3A_1121 = arith.addi %mul3A_28, %add3A_1120 : i32
        %get3A_1122 = arith.index_cast %add3A_1121 : i32 to index
        %get3A_1123 = arith.constant 144 : index
        %get3A_1124 = tpu.vector_load %arg7[%get3A_1122, %get3A_1123] {strides = array<i32>} : memref<128x256xf32, #tpu.memory_space<vmem>>, vector<1x16xf32>,
        %get3A_1125 = vector.shape_cast %get3A_1124 : vector<1x16xf32> to vector<16xf32>
        %add3A_1126 = arith.addf %add3A_1119, %get3A_1125 : vector<16xf32>
        %add3A_1127 = arith.constant 11 : i32
        %add3A_1128 = arith.addi %mul3A_28, %add3A_1127 : i32
        %get3A_1129 = arith.index_cast %add3A_1128 : i32 to index
        %get3A_1130 = arith.constant 144 : index
        %get3A_1131 = tpu.vector_load %arg7[%get3A_1129, %get3A_1130] {strides = array<i32>} : memref<128x256xf32, #tpu.memory_space<vmem>>, vector<1x16xf32>,
        %get3A_1132 = vector.shape_cast %get3A_1131 : vector<1x16xf32> to vector<16xf32>
        %add3A_1133 = arith.addf %add3A_1126, %get3A_1132 : vector<16xf32>
        %add3A_1134 = arith.constant 12 : i32
        %add3A_1135 = arith.addi %mul3A_28, %add3A_1134 : i32
        %get3A_1136 = arith.index_cast %add3A_1135 : i32 to index
        %get3A_1137 = arith.constant 144 : index
        %get3A_1138 = tpu.vector_load %arg7[%get3A_1136, %get3A_1137] {strides = array<i32>} : memref<128x256xf32, #tpu.memory_space<vmem>>, vector<1x16xf32>,
        %get3A_1139 = vector.shape_cast %get3A_1138 : vector<1x16xf32> to vector<16xf32>
        %add3A_1140 = arith.addf %add3A_1133, %get3A_1139 : vector<16xf32>
        %add3A_1141 = arith.constant 13 : i32
        %add3A_1142 = arith.addi %mul3A_28, %add3A_1141 : i32
        %get3A_1143 = arith.index_cast %add3A_1142 : i32 to index
        %get3A_1144 = arith.constant 144 : index
        %get3A_1145 = tpu.vector_load %arg7[%get3A_1143, %get3A_1144] {strides = array<i32>} : memref<128x256xf32, #tpu.memory_space<vmem>>, vector<1x16xf32>,
        %get3A_1146 = vector.shape_cast %get3A_1145 : vector<1x16xf32> to vector<16xf32>
        %add3A_1147 = arith.addf %add3A_1140, %get3A_1146 : vector<16xf32>
        %add3A_1148 = arith.constant 14 : i32
        %add3A_1149 = arith.addi %mul3A_28, %add3A_1148 : i32
        %get3A_1150 = arith.index_cast %add3A_1149 : i32 to index
        %get3A_1151 = arith.constant 144 : index
        %get3A_1152 = tpu.vector_load %arg7[%get3A_1150, %get3A_1151] {strides = array<i32>} : memref<128x256xf32, #tpu.memory_space<vmem>>, vector<1x16xf32>,
        %get3A_1153 = vector.shape_cast %get3A_1152 : vector<1x16xf32> to vector<16xf32>
        %add3A_1154 = arith.addf %add3A_1147, %get3A_1153 : vector<16xf32>
        %add3A_1155 = arith.constant 15 : i32
        %add3A_1156 = arith.addi %mul3A_28, %add3A_1155 : i32
        %get3A_1157 = arith.index_cast %add3A_1156 : i32 to index
        %get3A_1158 = arith.constant 144 : index
        %get3A_1159 = tpu.vector_load %arg7[%get3A_1157, %get3A_1158] {strides = array<i32>} : memref<128x256xf32, #tpu.memory_space<vmem>>, vector<1x16xf32>,
        %get3A_1160 = vector.shape_cast %get3A_1159 : vector<1x16xf32> to vector<16xf32>
        %add3A_1161 = arith.addf %add3A_1154, %get3A_1160 : vector<16xf32>
        %swap3A_1162 = arith.index_cast %scan3A_26 : i32 to index
        %swap3A_1163 = arith.constant 144 : index
        %swap3A_1164 = tpu.vector_load %arg8[%swap3A_1162, %swap3A_1163] {strides = array<i32>} : memref<8x256xf32, #tpu.memory_space<vmem>>, vector<1x16xf32>,
        %swap3A_1165 = vector.shape_cast %swap3A_1164 : vector<1x16xf32> to vector<16xf32>
        %swap3A_1166 = vector.shape_cast %add3A_1161 : vector<16xf32> to vector<1x16xf32>
        tpu.vector_store %arg8[%swap3A_1162, %swap3A_1163], %swap3A_1166 {strides = array<i32>} : memref<8x256xf32, #tpu.memory_space<vmem>>, vector<1x16xf32>,
        %get3A_1167 = arith.index_cast %mul3A_28 : i32 to index
        %get3A_1168 = arith.constant 160 : index
        %get3A_1169 = tpu.vector_load %arg7[%get3A_1167, %get3A_1168] {strides = array<i32>} : memref<128x256xf32, #tpu.memory_space<vmem>>, vector<1x16xf32>,
        %get3A_1170 = vector.shape_cast %get3A_1169 : vector<1x16xf32> to vector<16xf32>
        %add3A_1171 = arith.constant 1 : i32
        %add3A_1172 = arith.addi %mul3A_28, %add3A_1171 : i32
        %get3A_1173 = arith.index_cast %add3A_1172 : i32 to index
        %get3A_1174 = arith.constant 160 : index
        %get3A_1175 = tpu.vector_load %arg7[%get3A_1173, %get3A_1174] {strides = array<i32>} : memref<128x256xf32, #tpu.memory_space<vmem>>, vector<1x16xf32>,
        %get3A_1176 = vector.shape_cast %get3A_1175 : vector<1x16xf32> to vector<16xf32>
        %add3A_1177 = arith.addf %get3A_1170, %get3A_1176 : vector<16xf32>
        %add3A_1178 = arith.constant 2 : i32
        %add3A_1179 = arith.addi %mul3A_28, %add3A_1178 : i32
        %get3A_1180 = arith.index_cast %add3A_1179 : i32 to index
        %get3A_1181 = arith.constant 160 : index
        %get3A_1182 = tpu.vector_load %arg7[%get3A_1180, %get3A_1181] {strides = array<i32>} : memref<128x256xf32, #tpu.memory_space<vmem>>, vector<1x16xf32>,
        %get3A_1183 = vector.shape_cast %get3A_1182 : vector<1x16xf32> to vector<16xf32>
        %add3A_1184 = arith.addf %add3A_1177, %get3A_1183 : vector<16xf32>
        %add3A_1185 = arith.constant 3 : i32
        %add3A_1186 = arith.addi %mul3A_28, %add3A_1185 : i32
        %get3A_1187 = arith.index_cast %add3A_1186 : i32 to index
        %get3A_1188 = arith.constant 160 : index
        %get3A_1189 = tpu.vector_load %arg7[%get3A_1187, %get3A_1188] {strides = array<i32>} : memref<128x256xf32, #tpu.memory_space<vmem>>, vector<1x16xf32>,
        %get3A_1190 = vector.shape_cast %get3A_1189 : vector<1x16xf32> to vector<16xf32>
        %add3A_1191 = arith.addf %add3A_1184, %get3A_1190 : vector<16xf32>
        %add3A_1192 = arith.constant 4 : i32
        %add3A_1193 = arith.addi %mul3A_28, %add3A_1192 : i32
        %get3A_1194 = arith.index_cast %add3A_1193 : i32 to index
        %get3A_1195 = arith.constant 160 : index
        %get3A_1196 = tpu.vector_load %arg7[%get3A_1194, %get3A_1195] {strides = array<i32>} : memref<128x256xf32, #tpu.memory_space<vmem>>, vector<1x16xf32>,
        %get3A_1197 = vector.shape_cast %get3A_1196 : vector<1x16xf32> to vector<16xf32>
        %add3A_1198 = arith.addf %add3A_1191, %get3A_1197 : vector<16xf32>
        %add3A_1199 = arith.constant 5 : i32
        %add3A_1200 = arith.addi %mul3A_28, %add3A_1199 : i32
        %get3A_1201 = arith.index_cast %add3A_1200 : i32 to index
        %get3A_1202 = arith.constant 160 : index
        %get3A_1203 = tpu.vector_load %arg7[%get3A_1201, %get3A_1202] {strides = array<i32>} : memref<128x256xf32, #tpu.memory_space<vmem>>, vector<1x16xf32>,
        %get3A_1204 = vector.shape_cast %get3A_1203 : vector<1x16xf32> to vector<16xf32>
        %add3A_1205 = arith.addf %add3A_1198, %get3A_1204 : vector<16xf32>
        %add3A_1206 = arith.constant 6 : i32
        %add3A_1207 = arith.addi %mul3A_28, %add3A_1206 : i32
        %get3A_1208 = arith.index_cast %add3A_1207 : i32 to index
        %get3A_1209 = arith.constant 160 : index
        %get3A_1210 = tpu.vector_load %arg7[%get3A_1208, %get3A_1209] {strides = array<i32>} : memref<128x256xf32, #tpu.memory_space<vmem>>, vector<1x16xf32>,
        %get3A_1211 = vector.shape_cast %get3A_1210 : vector<1x16xf32> to vector<16xf32>
        %add3A_1212 = arith.addf %add3A_1205, %get3A_1211 : vector<16xf32>
        %add3A_1213 = arith.constant 7 : i32
        %add3A_1214 = arith.addi %mul3A_28, %add3A_1213 : i32
        %get3A_1215 = arith.index_cast %add3A_1214 : i32 to index
        %get3A_1216 = arith.constant 160 : index
        %get3A_1217 = tpu.vector_load %arg7[%get3A_1215, %get3A_1216] {strides = array<i32>} : memref<128x256xf32, #tpu.memory_space<vmem>>, vector<1x16xf32>,
        %get3A_1218 = vector.shape_cast %get3A_1217 : vector<1x16xf32> to vector<16xf32>
        %add3A_1219 = arith.addf %add3A_1212, %get3A_1218 : vector<16xf32>
        %add3A_1220 = arith.constant 8 : i32
        %add3A_1221 = arith.addi %mul3A_28, %add3A_1220 : i32
        %get3A_1222 = arith.index_cast %add3A_1221 : i32 to index
        %get3A_1223 = arith.constant 160 : index
        %get3A_1224 = tpu.vector_load %arg7[%get3A_1222, %get3A_1223] {strides = array<i32>} : memref<128x256xf32, #tpu.memory_space<vmem>>, vector<1x16xf32>,
        %get3A_1225 = vector.shape_cast %get3A_1224 : vector<1x16xf32> to vector<16xf32>
        %add3A_1226 = arith.addf %add3A_1219, %get3A_1225 : vector<16xf32>
        %add3A_1227 = arith.constant 9 : i32
        %add3A_1228 = arith.addi %mul3A_28, %add3A_1227 : i32
        %get3A_1229 = arith.index_cast %add3A_1228 : i32 to index
        %get3A_1230 = arith.constant 160 : index
        %get3A_1231 = tpu.vector_load %arg7[%get3A_1229, %get3A_1230] {strides = array<i32>} : memref<128x256xf32, #tpu.memory_space<vmem>>, vector<1x16xf32>,
        %get3A_1232 = vector.shape_cast %get3A_1231 : vector<1x16xf32> to vector<16xf32>
        %add3A_1233 = arith.addf %add3A_1226, %get3A_1232 : vector<16xf32>
        %add3A_1234 = arith.constant 10 : i32
        %add3A_1235 = arith.addi %mul3A_28, %add3A_1234 : i32
        %get3A_1236 = arith.index_cast %add3A_1235 : i32 to index
        %get3A_1237 = arith.constant 160 : index
        %get3A_1238 = tpu.vector_load %arg7[%get3A_1236, %get3A_1237] {strides = array<i32>} : memref<128x256xf32, #tpu.memory_space<vmem>>, vector<1x16xf32>,
        %get3A_1239 = vector.shape_cast %get3A_1238 : vector<1x16xf32> to vector<16xf32>
        %add3A_1240 = arith.addf %add3A_1233, %get3A_1239 : vector<16xf32>
        %add3A_1241 = arith.constant 11 : i32
        %add3A_1242 = arith.addi %mul3A_28, %add3A_1241 : i32
        %get3A_1243 = arith.index_cast %add3A_1242 : i32 to index
        %get3A_1244 = arith.constant 160 : index
        %get3A_1245 = tpu.vector_load %arg7[%get3A_1243, %get3A_1244] {strides = array<i32>} : memref<128x256xf32, #tpu.memory_space<vmem>>, vector<1x16xf32>,
        %get3A_1246 = vector.shape_cast %get3A_1245 : vector<1x16xf32> to vector<16xf32>
        %add3A_1247 = arith.addf %add3A_1240, %get3A_1246 : vector<16xf32>
        %add3A_1248 = arith.constant 12 : i32
        %add3A_1249 = arith.addi %mul3A_28, %add3A_1248 : i32
        %get3A_1250 = arith.index_cast %add3A_1249 : i32 to index
        %get3A_1251 = arith.constant 160 : index
        %get3A_1252 = tpu.vector_load %arg7[%get3A_1250, %get3A_1251] {strides = array<i32>} : memref<128x256xf32, #tpu.memory_space<vmem>>, vector<1x16xf32>,
        %get3A_1253 = vector.shape_cast %get3A_1252 : vector<1x16xf32> to vector<16xf32>
        %add3A_1254 = arith.addf %add3A_1247, %get3A_1253 : vector<16xf32>
        %add3A_1255 = arith.constant 13 : i32
        %add3A_1256 = arith.addi %mul3A_28, %add3A_1255 : i32
        %get3A_1257 = arith.index_cast %add3A_1256 : i32 to index
        %get3A_1258 = arith.constant 160 : index
        %get3A_1259 = tpu.vector_load %arg7[%get3A_1257, %get3A_1258] {strides = array<i32>} : memref<128x256xf32, #tpu.memory_space<vmem>>, vector<1x16xf32>,
        %get3A_1260 = vector.shape_cast %get3A_1259 : vector<1x16xf32> to vector<16xf32>
        %add3A_1261 = arith.addf %add3A_1254, %get3A_1260 : vector<16xf32>
        %add3A_1262 = arith.constant 14 : i32
        %add3A_1263 = arith.addi %mul3A_28, %add3A_1262 : i32
        %get3A_1264 = arith.index_cast %add3A_1263 : i32 to index
        %get3A_1265 = arith.constant 160 : index
        %get3A_1266 = tpu.vector_load %arg7[%get3A_1264, %get3A_1265] {strides = array<i32>} : memref<128x256xf32, #tpu.memory_space<vmem>>, vector<1x16xf32>,
        %get3A_1267 = vector.shape_cast %get3A_1266 : vector<1x16xf32> to vector<16xf32>
        %add3A_1268 = arith.addf %add3A_1261, %get3A_1267 : vector<16xf32>
        %add3A_1269 = arith.constant 15 : i32
        %add3A_1270 = arith.addi %mul3A_28, %add3A_1269 : i32
        %get3A_1271 = arith.index_cast %add3A_1270 : i32 to index
        %get3A_1272 = arith.constant 160 : index
        %get3A_1273 = tpu.vector_load %arg7[%get3A_1271, %get3A_1272] {strides = array<i32>} : memref<128x256xf32, #tpu.memory_space<vmem>>, vector<1x16xf32>,
        %get3A_1274 = vector.shape_cast %get3A_1273 : vector<1x16xf32> to vector<16xf32>
        %add3A_1275 = arith.addf %add3A_1268, %get3A_1274 : vector<16xf32>
        %swap3A_1276 = arith.index_cast %scan3A_26 : i32 to index
        %swap3A_1277 = arith.constant 160 : index
        %swap3A_1278 = tpu.vector_load %arg8[%swap3A_1276, %swap3A_1277] {strides = array<i32>} : memref<8x256xf32, #tpu.memory_space<vmem>>, vector<1x16xf32>,
        %swap3A_1279 = vector.shape_cast %swap3A_1278 : vector<1x16xf32> to vector<16xf32>
        %swap3A_1280 = vector.shape_cast %add3A_1275 : vector<16xf32> to vector<1x16xf32>
        tpu.vector_store %arg8[%swap3A_1276, %swap3A_1277], %swap3A_1280 {strides = array<i32>} : memref<8x256xf32, #tpu.memory_space<vmem>>, vector<1x16xf32>,
        %get3A_1281 = arith.index_cast %mul3A_28 : i32 to index
        %get3A_1282 = arith.constant 176 : index
        %get3A_1283 = tpu.vector_load %arg7[%get3A_1281, %get3A_1282] {strides = array<i32>} : memref<128x256xf32, #tpu.memory_space<vmem>>, vector<1x16xf32>,
        %get3A_1284 = vector.shape_cast %get3A_1283 : vector<1x16xf32> to vector<16xf32>
        %add3A_1285 = arith.constant 1 : i32
        %add3A_1286 = arith.addi %mul3A_28, %add3A_1285 : i32
        %get3A_1287 = arith.index_cast %add3A_1286 : i32 to index
        %get3A_1288 = arith.constant 176 : index
        %get3A_1289 = tpu.vector_load %arg7[%get3A_1287, %get3A_1288] {strides = array<i32>} : memref<128x256xf32, #tpu.memory_space<vmem>>, vector<1x16xf32>,
        %get3A_1290 = vector.shape_cast %get3A_1289 : vector<1x16xf32> to vector<16xf32>
        %add3A_1291 = arith.addf %get3A_1284, %get3A_1290 : vector<16xf32>
        %add3A_1292 = arith.constant 2 : i32
        %add3A_1293 = arith.addi %mul3A_28, %add3A_1292 : i32
        %get3A_1294 = arith.index_cast %add3A_1293 : i32 to index
        %get3A_1295 = arith.constant 176 : index
        %get3A_1296 = tpu.vector_load %arg7[%get3A_1294, %get3A_1295] {strides = array<i32>} : memref<128x256xf32, #tpu.memory_space<vmem>>, vector<1x16xf32>,
        %get3A_1297 = vector.shape_cast %get3A_1296 : vector<1x16xf32> to vector<16xf32>
        %add3A_1298 = arith.addf %add3A_1291, %get3A_1297 : vector<16xf32>
        %add3A_1299 = arith.constant 3 : i32
        %add3A_1300 = arith.addi %mul3A_28, %add3A_1299 : i32
        %get3A_1301 = arith.index_cast %add3A_1300 : i32 to index
        %get3A_1302 = arith.constant 176 : index
        %get3A_1303 = tpu.vector_load %arg7[%get3A_1301, %get3A_1302] {strides = array<i32>} : memref<128x256xf32, #tpu.memory_space<vmem>>, vector<1x16xf32>,
        %get3A_1304 = vector.shape_cast %get3A_1303 : vector<1x16xf32> to vector<16xf32>
        %add3A_1305 = arith.addf %add3A_1298, %get3A_1304 : vector<16xf32>
        %add3A_1306 = arith.constant 4 : i32
        %add3A_1307 = arith.addi %mul3A_28, %add3A_1306 : i32
        %get3A_1308 = arith.index_cast %add3A_1307 : i32 to index
        %get3A_1309 = arith.constant 176 : index
        %get3A_1310 = tpu.vector_load %arg7[%get3A_1308, %get3A_1309] {strides = array<i32>} : memref<128x256xf32, #tpu.memory_space<vmem>>, vector<1x16xf32>,
        %get3A_1311 = vector.shape_cast %get3A_1310 : vector<1x16xf32> to vector<16xf32>
        %add3A_1312 = arith.addf %add3A_1305, %get3A_1311 : vector<16xf32>
        %add3A_1313 = arith.constant 5 : i32
        %add3A_1314 = arith.addi %mul3A_28, %add3A_1313 : i32
        %get3A_1315 = arith.index_cast %add3A_1314 : i32 to index
        %get3A_1316 = arith.constant 176 : index
        %get3A_1317 = tpu.vector_load %arg7[%get3A_1315, %get3A_1316] {strides = array<i32>} : memref<128x256xf32, #tpu.memory_space<vmem>>, vector<1x16xf32>,
        %get3A_1318 = vector.shape_cast %get3A_1317 : vector<1x16xf32> to vector<16xf32>
        %add3A_1319 = arith.addf %add3A_1312, %get3A_1318 : vector<16xf32>
        %add3A_1320 = arith.constant 6 : i32
        %add3A_1321 = arith.addi %mul3A_28, %add3A_1320 : i32
        %get3A_1322 = arith.index_cast %add3A_1321 : i32 to index
        %get3A_1323 = arith.constant 176 : index
        %get3A_1324 = tpu.vector_load %arg7[%get3A_1322, %get3A_1323] {strides = array<i32>} : memref<128x256xf32, #tpu.memory_space<vmem>>, vector<1x16xf32>,
        %get3A_1325 = vector.shape_cast %get3A_1324 : vector<1x16xf32> to vector<16xf32>
        %add3A_1326 = arith.addf %add3A_1319, %get3A_1325 : vector<16xf32>
        %add3A_1327 = arith.constant 7 : i32
        %add3A_1328 = arith.addi %mul3A_28, %add3A_1327 : i32
        %get3A_1329 = arith.index_cast %add3A_1328 : i32 to index
        %get3A_1330 = arith.constant 176 : index
        %get3A_1331 = tpu.vector_load %arg7[%get3A_1329, %get3A_1330] {strides = array<i32>} : memref<128x256xf32, #tpu.memory_space<vmem>>, vector<1x16xf32>,
        %get3A_1332 = vector.shape_cast %get3A_1331 : vector<1x16xf32> to vector<16xf32>
        %add3A_1333 = arith.addf %add3A_1326, %get3A_1332 : vector<16xf32>
        %add3A_1334 = arith.constant 8 : i32
        %add3A_1335 = arith.addi %mul3A_28, %add3A_1334 : i32
        %get3A_1336 = arith.index_cast %add3A_1335 : i32 to index
        %get3A_1337 = arith.constant 176 : index
        %get3A_1338 = tpu.vector_load %arg7[%get3A_1336, %get3A_1337] {strides = array<i32>} : memref<128x256xf32, #tpu.memory_space<vmem>>, vector<1x16xf32>,
        %get3A_1339 = vector.shape_cast %get3A_1338 : vector<1x16xf32> to vector<16xf32>
        %add3A_1340 = arith.addf %add3A_1333, %get3A_1339 : vector<16xf32>
        %add3A_1341 = arith.constant 9 : i32
        %add3A_1342 = arith.addi %mul3A_28, %add3A_1341 : i32
        %get3A_1343 = arith.index_cast %add3A_1342 : i32 to index
        %get3A_1344 = arith.constant 176 : index
        %get3A_1345 = tpu.vector_load %arg7[%get3A_1343, %get3A_1344] {strides = array<i32>} : memref<128x256xf32, #tpu.memory_space<vmem>>, vector<1x16xf32>,
        %get3A_1346 = vector.shape_cast %get3A_1345 : vector<1x16xf32> to vector<16xf32>
        %add3A_1347 = arith.addf %add3A_1340, %get3A_1346 : vector<16xf32>
        %add3A_1348 = arith.constant 10 : i32
        %add3A_1349 = arith.addi %mul3A_28, %add3A_1348 : i32
        %get3A_1350 = arith.index_cast %add3A_1349 : i32 to index
        %get3A_1351 = arith.constant 176 : index
        %get3A_1352 = tpu.vector_load %arg7[%get3A_1350, %get3A_1351] {strides = array<i32>} : memref<128x256xf32, #tpu.memory_space<vmem>>, vector<1x16xf32>,
        %get3A_1353 = vector.shape_cast %get3A_1352 : vector<1x16xf32> to vector<16xf32>
        %add3A_1354 = arith.addf %add3A_1347, %get3A_1353 : vector<16xf32>
        %add3A_1355 = arith.constant 11 : i32
        %add3A_1356 = arith.addi %mul3A_28, %add3A_1355 : i32
        %get3A_1357 = arith.index_cast %add3A_1356 : i32 to index
        %get3A_1358 = arith.constant 176 : index
        %get3A_1359 = tpu.vector_load %arg7[%get3A_1357, %get3A_1358] {strides = array<i32>} : memref<128x256xf32, #tpu.memory_space<vmem>>, vector<1x16xf32>,
        %get3A_1360 = vector.shape_cast %get3A_1359 : vector<1x16xf32> to vector<16xf32>
        %add3A_1361 = arith.addf %add3A_1354, %get3A_1360 : vector<16xf32>
        %add3A_1362 = arith.constant 12 : i32
        %add3A_1363 = arith.addi %mul3A_28, %add3A_1362 : i32
        %get3A_1364 = arith.index_cast %add3A_1363 : i32 to index
        %get3A_1365 = arith.constant 176 : index
        %get3A_1366 = tpu.vector_load %arg7[%get3A_1364, %get3A_1365] {strides = array<i32>} : memref<128x256xf32, #tpu.memory_space<vmem>>, vector<1x16xf32>,
        %get3A_1367 = vector.shape_cast %get3A_1366 : vector<1x16xf32> to vector<16xf32>
        %add3A_1368 = arith.addf %add3A_1361, %get3A_1367 : vector<16xf32>
        %add3A_1369 = arith.constant 13 : i32
        %add3A_1370 = arith.addi %mul3A_28, %add3A_1369 : i32
        %get3A_1371 = arith.index_cast %add3A_1370 : i32 to index
        %get3A_1372 = arith.constant 176 : index
        %get3A_1373 = tpu.vector_load %arg7[%get3A_1371, %get3A_1372] {strides = array<i32>} : memref<128x256xf32, #tpu.memory_space<vmem>>, vector<1x16xf32>,
        %get3A_1374 = vector.shape_cast %get3A_1373 : vector<1x16xf32> to vector<16xf32>
        %add3A_1375 = arith.addf %add3A_1368, %get3A_1374 : vector<16xf32>
        %add3A_1376 = arith.constant 14 : i32
        %add3A_1377 = arith.addi %mul3A_28, %add3A_1376 : i32
        %get3A_1378 = arith.index_cast %add3A_1377 : i32 to index
        %get3A_1379 = arith.constant 176 : index
        %get3A_1380 = tpu.vector_load %arg7[%get3A_1378, %get3A_1379] {strides = array<i32>} : memref<128x256xf32, #tpu.memory_space<vmem>>, vector<1x16xf32>,
        %get3A_1381 = vector.shape_cast %get3A_1380 : vector<1x16xf32> to vector<16xf32>
        %add3A_1382 = arith.addf %add3A_1375, %get3A_1381 : vector<16xf32>
        %add3A_1383 = arith.constant 15 : i32
        %add3A_1384 = arith.addi %mul3A_28, %add3A_1383 : i32
        %get3A_1385 = arith.index_cast %add3A_1384 : i32 to index
        %get3A_1386 = arith.constant 176 : index
        %get3A_1387 = tpu.vector_load %arg7[%get3A_1385, %get3A_1386] {strides = array<i32>} : memref<128x256xf32, #tpu.memory_space<vmem>>, vector<1x16xf32>,
        %get3A_1388 = vector.shape_cast %get3A_1387 : vector<1x16xf32> to vector<16xf32>
        %add3A_1389 = arith.addf %add3A_1382, %get3A_1388 : vector<16xf32>
        %swap3A_1390 = arith.index_cast %scan3A_26 : i32 to index
        %swap3A_1391 = arith.constant 176 : index
        %swap3A_1392 = tpu.vector_load %arg8[%swap3A_1390, %swap3A_1391] {strides = array<i32>} : memref<8x256xf32, #tpu.memory_space<vmem>>, vector<1x16xf32>,
        %swap3A_1393 = vector.shape_cast %swap3A_1392 : vector<1x16xf32> to vector<16xf32>
        %swap3A_1394 = vector.shape_cast %add3A_1389 : vector<16xf32> to vector<1x16xf32>
        tpu.vector_store %arg8[%swap3A_1390, %swap3A_1391], %swap3A_1394 {strides = array<i32>} : memref<8x256xf32, #tpu.memory_space<vmem>>, vector<1x16xf32>,
        %get3A_1395 = arith.index_cast %mul3A_28 : i32 to index
        %get3A_1396 = arith.constant 192 : index
        %get3A_1397 = tpu.vector_load %arg7[%get3A_1395, %get3A_1396] {strides = array<i32>} : memref<128x256xf32, #tpu.memory_space<vmem>>, vector<1x16xf32>,
        %get3A_1398 = vector.shape_cast %get3A_1397 : vector<1x16xf32> to vector<16xf32>
        %add3A_1399 = arith.constant 1 : i32
        %add3A_1400 = arith.addi %mul3A_28, %add3A_1399 : i32
        %get3A_1401 = arith.index_cast %add3A_1400 : i32 to index
        %get3A_1402 = arith.constant 192 : index
        %get3A_1403 = tpu.vector_load %arg7[%get3A_1401, %get3A_1402] {strides = array<i32>} : memref<128x256xf32, #tpu.memory_space<vmem>>, vector<1x16xf32>,
        %get3A_1404 = vector.shape_cast %get3A_1403 : vector<1x16xf32> to vector<16xf32>
        %add3A_1405 = arith.addf %get3A_1398, %get3A_1404 : vector<16xf32>
        %add3A_1406 = arith.constant 2 : i32
        %add3A_1407 = arith.addi %mul3A_28, %add3A_1406 : i32
        %get3A_1408 = arith.index_cast %add3A_1407 : i32 to index
        %get3A_1409 = arith.constant 192 : index
        %get3A_1410 = tpu.vector_load %arg7[%get3A_1408, %get3A_1409] {strides = array<i32>} : memref<128x256xf32, #tpu.memory_space<vmem>>, vector<1x16xf32>,
        %get3A_1411 = vector.shape_cast %get3A_1410 : vector<1x16xf32> to vector<16xf32>
        %add3A_1412 = arith.addf %add3A_1405, %get3A_1411 : vector<16xf32>
        %add3A_1413 = arith.constant 3 : i32
        %add3A_1414 = arith.addi %mul3A_28, %add3A_1413 : i32
        %get3A_1415 = arith.index_cast %add3A_1414 : i32 to index
        %get3A_1416 = arith.constant 192 : index
        %get3A_1417 = tpu.vector_load %arg7[%get3A_1415, %get3A_1416] {strides = array<i32>} : memref<128x256xf32, #tpu.memory_space<vmem>>, vector<1x16xf32>,
        %get3A_1418 = vector.shape_cast %get3A_1417 : vector<1x16xf32> to vector<16xf32>
        %add3A_1419 = arith.addf %add3A_1412, %get3A_1418 : vector<16xf32>
        %add3A_1420 = arith.constant 4 : i32
        %add3A_1421 = arith.addi %mul3A_28, %add3A_1420 : i32
        %get3A_1422 = arith.index_cast %add3A_1421 : i32 to index
        %get3A_1423 = arith.constant 192 : index
        %get3A_1424 = tpu.vector_load %arg7[%get3A_1422, %get3A_1423] {strides = array<i32>} : memref<128x256xf32, #tpu.memory_space<vmem>>, vector<1x16xf32>,
        %get3A_1425 = vector.shape_cast %get3A_1424 : vector<1x16xf32> to vector<16xf32>
        %add3A_1426 = arith.addf %add3A_1419, %get3A_1425 : vector<16xf32>
        %add3A_1427 = arith.constant 5 : i32
        %add3A_1428 = arith.addi %mul3A_28, %add3A_1427 : i32
        %get3A_1429 = arith.index_cast %add3A_1428 : i32 to index
        %get3A_1430 = arith.constant 192 : index
        %get3A_1431 = tpu.vector_load %arg7[%get3A_1429, %get3A_1430] {strides = array<i32>} : memref<128x256xf32, #tpu.memory_space<vmem>>, vector<1x16xf32>,
        %get3A_1432 = vector.shape_cast %get3A_1431 : vector<1x16xf32> to vector<16xf32>
        %add3A_1433 = arith.addf %add3A_1426, %get3A_1432 : vector<16xf32>
        %add3A_1434 = arith.constant 6 : i32
        %add3A_1435 = arith.addi %mul3A_28, %add3A_1434 : i32
        %get3A_1436 = arith.index_cast %add3A_1435 : i32 to index
        %get3A_1437 = arith.constant 192 : index
        %get3A_1438 = tpu.vector_load %arg7[%get3A_1436, %get3A_1437] {strides = array<i32>} : memref<128x256xf32, #tpu.memory_space<vmem>>, vector<1x16xf32>,
        %get3A_1439 = vector.shape_cast %get3A_1438 : vector<1x16xf32> to vector<16xf32>
        %add3A_1440 = arith.addf %add3A_1433, %get3A_1439 : vector<16xf32>
        %add3A_1441 = arith.constant 7 : i32
        %add3A_1442 = arith.addi %mul3A_28, %add3A_1441 : i32
        %get3A_1443 = arith.index_cast %add3A_1442 : i32 to index
        %get3A_1444 = arith.constant 192 : index
        %get3A_1445 = tpu.vector_load %arg7[%get3A_1443, %get3A_1444] {strides = array<i32>} : memref<128x256xf32, #tpu.memory_space<vmem>>, vector<1x16xf32>,
        %get3A_1446 = vector.shape_cast %get3A_1445 : vector<1x16xf32> to vector<16xf32>
        %add3A_1447 = arith.addf %add3A_1440, %get3A_1446 : vector<16xf32>
        %add3A_1448 = arith.constant 8 : i32
        %add3A_1449 = arith.addi %mul3A_28, %add3A_1448 : i32
        %get3A_1450 = arith.index_cast %add3A_1449 : i32 to index
        %get3A_1451 = arith.constant 192 : index
        %get3A_1452 = tpu.vector_load %arg7[%get3A_1450, %get3A_1451] {strides = array<i32>} : memref<128x256xf32, #tpu.memory_space<vmem>>, vector<1x16xf32>,
        %get3A_1453 = vector.shape_cast %get3A_1452 : vector<1x16xf32> to vector<16xf32>
        %add3A_1454 = arith.addf %add3A_1447, %get3A_1453 : vector<16xf32>
        %add3A_1455 = arith.constant 9 : i32
        %add3A_1456 = arith.addi %mul3A_28, %add3A_1455 : i32
        %get3A_1457 = arith.index_cast %add3A_1456 : i32 to index
        %get3A_1458 = arith.constant 192 : index
        %get3A_1459 = tpu.vector_load %arg7[%get3A_1457, %get3A_1458] {strides = array<i32>} : memref<128x256xf32, #tpu.memory_space<vmem>>, vector<1x16xf32>,
        %get3A_1460 = vector.shape_cast %get3A_1459 : vector<1x16xf32> to vector<16xf32>
        %add3A_1461 = arith.addf %add3A_1454, %get3A_1460 : vector<16xf32>
        %add3A_1462 = arith.constant 10 : i32
        %add3A_1463 = arith.addi %mul3A_28, %add3A_1462 : i32
        %get3A_1464 = arith.index_cast %add3A_1463 : i32 to index
        %get3A_1465 = arith.constant 192 : index
        %get3A_1466 = tpu.vector_load %arg7[%get3A_1464, %get3A_1465] {strides = array<i32>} : memref<128x256xf32, #tpu.memory_space<vmem>>, vector<1x16xf32>,
        %get3A_1467 = vector.shape_cast %get3A_1466 : vector<1x16xf32> to vector<16xf32>
        %add3A_1468 = arith.addf %add3A_1461, %get3A_1467 : vector<16xf32>
        %add3A_1469 = arith.constant 11 : i32
        %add3A_1470 = arith.addi %mul3A_28, %add3A_1469 : i32
        %get3A_1471 = arith.index_cast %add3A_1470 : i32 to index
        %get3A_1472 = arith.constant 192 : index
        %get3A_1473 = tpu.vector_load %arg7[%get3A_1471, %get3A_1472] {strides = array<i32>} : memref<128x256xf32, #tpu.memory_space<vmem>>, vector<1x16xf32>,
        %get3A_1474 = vector.shape_cast %get3A_1473 : vector<1x16xf32> to vector<16xf32>
        %add3A_1475 = arith.addf %add3A_1468, %get3A_1474 : vector<16xf32>
        %add3A_1476 = arith.constant 12 : i32
        %add3A_1477 = arith.addi %mul3A_28, %add3A_1476 : i32
        %get3A_1478 = arith.index_cast %add3A_1477 : i32 to index
        %get3A_1479 = arith.constant 192 : index
        %get3A_1480 = tpu.vector_load %arg7[%get3A_1478, %get3A_1479] {strides = array<i32>} : memref<128x256xf32, #tpu.memory_space<vmem>>, vector<1x16xf32>,
        %get3A_1481 = vector.shape_cast %get3A_1480 : vector<1x16xf32> to vector<16xf32>
        %add3A_1482 = arith.addf %add3A_1475, %get3A_1481 : vector<16xf32>
        %add3A_1483 = arith.constant 13 : i32
        %add3A_1484 = arith.addi %mul3A_28, %add3A_1483 : i32
        %get3A_1485 = arith.index_cast %add3A_1484 : i32 to index
        %get3A_1486 = arith.constant 192 : index
        %get3A_1487 = tpu.vector_load %arg7[%get3A_1485, %get3A_1486] {strides = array<i32>} : memref<128x256xf32, #tpu.memory_space<vmem>>, vector<1x16xf32>,
        %get3A_1488 = vector.shape_cast %get3A_1487 : vector<1x16xf32> to vector<16xf32>
        %add3A_1489 = arith.addf %add3A_1482, %get3A_1488 : vector<16xf32>
        %add3A_1490 = arith.constant 14 : i32
        %add3A_1491 = arith.addi %mul3A_28, %add3A_1490 : i32
        %get3A_1492 = arith.index_cast %add3A_1491 : i32 to index
        %get3A_1493 = arith.constant 192 : index
        %get3A_1494 = tpu.vector_load %arg7[%get3A_1492, %get3A_1493] {strides = array<i32>} : memref<128x256xf32, #tpu.memory_space<vmem>>, vector<1x16xf32>,
        %get3A_1495 = vector.shape_cast %get3A_1494 : vector<1x16xf32> to vector<16xf32>
        %add3A_1496 = arith.addf %add3A_1489, %get3A_1495 : vector<16xf32>
        %add3A_1497 = arith.constant 15 : i32
        %add3A_1498 = arith.addi %mul3A_28, %add3A_1497 : i32
        %get3A_1499 = arith.index_cast %add3A_1498 : i32 to index
        %get3A_1500 = arith.constant 192 : index
        %get3A_1501 = tpu.vector_load %arg7[%get3A_1499, %get3A_1500] {strides = array<i32>} : memref<128x256xf32, #tpu.memory_space<vmem>>, vector<1x16xf32>,
        %get3A_1502 = vector.shape_cast %get3A_1501 : vector<1x16xf32> to vector<16xf32>
        %add3A_1503 = arith.addf %add3A_1496, %get3A_1502 : vector<16xf32>
        %swap3A_1504 = arith.index_cast %scan3A_26 : i32 to index
        %swap3A_1505 = arith.constant 192 : index
        %swap3A_1506 = tpu.vector_load %arg8[%swap3A_1504, %swap3A_1505] {strides = array<i32>} : memref<8x256xf32, #tpu.memory_space<vmem>>, vector<1x16xf32>,
        %swap3A_1507 = vector.shape_cast %swap3A_1506 : vector<1x16xf32> to vector<16xf32>
        %swap3A_1508 = vector.shape_cast %add3A_1503 : vector<16xf32> to vector<1x16xf32>
        tpu.vector_store %arg8[%swap3A_1504, %swap3A_1505], %swap3A_1508 {strides = array<i32>} : memref<8x256xf32, #tpu.memory_space<vmem>>, vector<1x16xf32>,
        %get3A_1509 = arith.index_cast %mul3A_28 : i32 to index
        %get3A_1510 = arith.constant 208 : index
        %get3A_1511 = tpu.vector_load %arg7[%get3A_1509, %get3A_1510] {strides = array<i32>} : memref<128x256xf32, #tpu.memory_space<vmem>>, vector<1x16xf32>,
        %get3A_1512 = vector.shape_cast %get3A_1511 : vector<1x16xf32> to vector<16xf32>
        %add3A_1513 = arith.constant 1 : i32
        %add3A_1514 = arith.addi %mul3A_28, %add3A_1513 : i32
        %get3A_1515 = arith.index_cast %add3A_1514 : i32 to index
        %get3A_1516 = arith.constant 208 : index
        %get3A_1517 = tpu.vector_load %arg7[%get3A_1515, %get3A_1516] {strides = array<i32>} : memref<128x256xf32, #tpu.memory_space<vmem>>, vector<1x16xf32>,
        %get3A_1518 = vector.shape_cast %get3A_1517 : vector<1x16xf32> to vector<16xf32>
        %add3A_1519 = arith.addf %get3A_1512, %get3A_1518 : vector<16xf32>
        %add3A_1520 = arith.constant 2 : i32
        %add3A_1521 = arith.addi %mul3A_28, %add3A_1520 : i32
        %get3A_1522 = arith.index_cast %add3A_1521 : i32 to index
        %get3A_1523 = arith.constant 208 : index
        %get3A_1524 = tpu.vector_load %arg7[%get3A_1522, %get3A_1523] {strides = array<i32>} : memref<128x256xf32, #tpu.memory_space<vmem>>, vector<1x16xf32>,
        %get3A_1525 = vector.shape_cast %get3A_1524 : vector<1x16xf32> to vector<16xf32>
        %add3A_1526 = arith.addf %add3A_1519, %get3A_1525 : vector<16xf32>
        %add3A_1527 = arith.constant 3 : i32
        %add3A_1528 = arith.addi %mul3A_28, %add3A_1527 : i32
        %get3A_1529 = arith.index_cast %add3A_1528 : i32 to index
        %get3A_1530 = arith.constant 208 : index
        %get3A_1531 = tpu.vector_load %arg7[%get3A_1529, %get3A_1530] {strides = array<i32>} : memref<128x256xf32, #tpu.memory_space<vmem>>, vector<1x16xf32>,
        %get3A_1532 = vector.shape_cast %get3A_1531 : vector<1x16xf32> to vector<16xf32>
        %add3A_1533 = arith.addf %add3A_1526, %get3A_1532 : vector<16xf32>
        %add3A_1534 = arith.constant 4 : i32
        %add3A_1535 = arith.addi %mul3A_28, %add3A_1534 : i32
        %get3A_1536 = arith.index_cast %add3A_1535 : i32 to index
        %get3A_1537 = arith.constant 208 : index
        %get3A_1538 = tpu.vector_load %arg7[%get3A_1536, %get3A_1537] {strides = array<i32>} : memref<128x256xf32, #tpu.memory_space<vmem>>, vector<1x16xf32>,
        %get3A_1539 = vector.shape_cast %get3A_1538 : vector<1x16xf32> to vector<16xf32>
        %add3A_1540 = arith.addf %add3A_1533, %get3A_1539 : vector<16xf32>
        %add3A_1541 = arith.constant 5 : i32
        %add3A_1542 = arith.addi %mul3A_28, %add3A_1541 : i32
        %get3A_1543 = arith.index_cast %add3A_1542 : i32 to index
        %get3A_1544 = arith.constant 208 : index
        %get3A_1545 = tpu.vector_load %arg7[%get3A_1543, %get3A_1544] {strides = array<i32>} : memref<128x256xf32, #tpu.memory_space<vmem>>, vector<1x16xf32>,
        %get3A_1546 = vector.shape_cast %get3A_1545 : vector<1x16xf32> to vector<16xf32>
        %add3A_1547 = arith.addf %add3A_1540, %get3A_1546 : vector<16xf32>
        %add3A_1548 = arith.constant 6 : i32
        %add3A_1549 = arith.addi %mul3A_28, %add3A_1548 : i32
        %get3A_1550 = arith.index_cast %add3A_1549 : i32 to index
        %get3A_1551 = arith.constant 208 : index
        %get3A_1552 = tpu.vector_load %arg7[%get3A_1550, %get3A_1551] {strides = array<i32>} : memref<128x256xf32, #tpu.memory_space<vmem>>, vector<1x16xf32>,
        %get3A_1553 = vector.shape_cast %get3A_1552 : vector<1x16xf32> to vector<16xf32>
        %add3A_1554 = arith.addf %add3A_1547, %get3A_1553 : vector<16xf32>
        %add3A_1555 = arith.constant 7 : i32
        %add3A_1556 = arith.addi %mul3A_28, %add3A_1555 : i32
        %get3A_1557 = arith.index_cast %add3A_1556 : i32 to index
        %get3A_1558 = arith.constant 208 : index
        %get3A_1559 = tpu.vector_load %arg7[%get3A_1557, %get3A_1558] {strides = array<i32>} : memref<128x256xf32, #tpu.memory_space<vmem>>, vector<1x16xf32>,
        %get3A_1560 = vector.shape_cast %get3A_1559 : vector<1x16xf32> to vector<16xf32>
        %add3A_1561 = arith.addf %add3A_1554, %get3A_1560 : vector<16xf32>
        %add3A_1562 = arith.constant 8 : i32
        %add3A_1563 = arith.addi %mul3A_28, %add3A_1562 : i32
        %get3A_1564 = arith.index_cast %add3A_1563 : i32 to index
        %get3A_1565 = arith.constant 208 : index
        %get3A_1566 = tpu.vector_load %arg7[%get3A_1564, %get3A_1565] {strides = array<i32>} : memref<128x256xf32, #tpu.memory_space<vmem>>, vector<1x16xf32>,
        %get3A_1567 = vector.shape_cast %get3A_1566 : vector<1x16xf32> to vector<16xf32>
        %add3A_1568 = arith.addf %add3A_1561, %get3A_1567 : vector<16xf32>
        %add3A_1569 = arith.constant 9 : i32
        %add3A_1570 = arith.addi %mul3A_28, %add3A_1569 : i32
        %get3A_1571 = arith.index_cast %add3A_1570 : i32 to index
        %get3A_1572 = arith.constant 208 : index
        %get3A_1573 = tpu.vector_load %arg7[%get3A_1571, %get3A_1572] {strides = array<i32>} : memref<128x256xf32, #tpu.memory_space<vmem>>, vector<1x16xf32>,
        %get3A_1574 = vector.shape_cast %get3A_1573 : vector<1x16xf32> to vector<16xf32>
        %add3A_1575 = arith.addf %add3A_1568, %get3A_1574 : vector<16xf32>
        %add3A_1576 = arith.constant 10 : i32
        %add3A_1577 = arith.addi %mul3A_28, %add3A_1576 : i32
        %get3A_1578 = arith.index_cast %add3A_1577 : i32 to index
        %get3A_1579 = arith.constant 208 : index
        %get3A_1580 = tpu.vector_load %arg7[%get3A_1578, %get3A_1579] {strides = array<i32>} : memref<128x256xf32, #tpu.memory_space<vmem>>, vector<1x16xf32>,
        %get3A_1581 = vector.shape_cast %get3A_1580 : vector<1x16xf32> to vector<16xf32>
        %add3A_1582 = arith.addf %add3A_1575, %get3A_1581 : vector<16xf32>
        %add3A_1583 = arith.constant 11 : i32
        %add3A_1584 = arith.addi %mul3A_28, %add3A_1583 : i32
        %get3A_1585 = arith.index_cast %add3A_1584 : i32 to index
        %get3A_1586 = arith.constant 208 : index
        %get3A_1587 = tpu.vector_load %arg7[%get3A_1585, %get3A_1586] {strides = array<i32>} : memref<128x256xf32, #tpu.memory_space<vmem>>, vector<1x16xf32>,
        %get3A_1588 = vector.shape_cast %get3A_1587 : vector<1x16xf32> to vector<16xf32>
        %add3A_1589 = arith.addf %add3A_1582, %get3A_1588 : vector<16xf32>
        %add3A_1590 = arith.constant 12 : i32
        %add3A_1591 = arith.addi %mul3A_28, %add3A_1590 : i32
        %get3A_1592 = arith.index_cast %add3A_1591 : i32 to index
        %get3A_1593 = arith.constant 208 : index
        %get3A_1594 = tpu.vector_load %arg7[%get3A_1592, %get3A_1593] {strides = array<i32>} : memref<128x256xf32, #tpu.memory_space<vmem>>, vector<1x16xf32>,
        %get3A_1595 = vector.shape_cast %get3A_1594 : vector<1x16xf32> to vector<16xf32>
        %add3A_1596 = arith.addf %add3A_1589, %get3A_1595 : vector<16xf32>
        %add3A_1597 = arith.constant 13 : i32
        %add3A_1598 = arith.addi %mul3A_28, %add3A_1597 : i32
        %get3A_1599 = arith.index_cast %add3A_1598 : i32 to index
        %get3A_1600 = arith.constant 208 : index
        %get3A_1601 = tpu.vector_load %arg7[%get3A_1599, %get3A_1600] {strides = array<i32>} : memref<128x256xf32, #tpu.memory_space<vmem>>, vector<1x16xf32>,
        %get3A_1602 = vector.shape_cast %get3A_1601 : vector<1x16xf32> to vector<16xf32>
        %add3A_1603 = arith.addf %add3A_1596, %get3A_1602 : vector<16xf32>
        %add3A_1604 = arith.constant 14 : i32
        %add3A_1605 = arith.addi %mul3A_28, %add3A_1604 : i32
        %get3A_1606 = arith.index_cast %add3A_1605 : i32 to index
        %get3A_1607 = arith.constant 208 : index
        %get3A_1608 = tpu.vector_load %arg7[%get3A_1606, %get3A_1607] {strides = array<i32>} : memref<128x256xf32, #tpu.memory_space<vmem>>, vector<1x16xf32>,
        %get3A_1609 = vector.shape_cast %get3A_1608 : vector<1x16xf32> to vector<16xf32>
        %add3A_1610 = arith.addf %add3A_1603, %get3A_1609 : vector<16xf32>
        %add3A_1611 = arith.constant 15 : i32
        %add3A_1612 = arith.addi %mul3A_28, %add3A_1611 : i32
        %get3A_1613 = arith.index_cast %add3A_1612 : i32 to index
        %get3A_1614 = arith.constant 208 : index
        %get3A_1615 = tpu.vector_load %arg7[%get3A_1613, %get3A_1614] {strides = array<i32>} : memref<128x256xf32, #tpu.memory_space<vmem>>, vector<1x16xf32>,
        %get3A_1616 = vector.shape_cast %get3A_1615 : vector<1x16xf32> to vector<16xf32>
        %add3A_1617 = arith.addf %add3A_1610, %get3A_1616 : vector<16xf32>
        %swap3A_1618 = arith.index_cast %scan3A_26 : i32 to index
        %swap3A_1619 = arith.constant 208 : index
        %swap3A_1620 = tpu.vector_load %arg8[%swap3A_1618, %swap3A_1619] {strides = array<i32>} : memref<8x256xf32, #tpu.memory_space<vmem>>, vector<1x16xf32>,
        %swap3A_1621 = vector.shape_cast %swap3A_1620 : vector<1x16xf32> to vector<16xf32>
        %swap3A_1622 = vector.shape_cast %add3A_1617 : vector<16xf32> to vector<1x16xf32>
        tpu.vector_store %arg8[%swap3A_1618, %swap3A_1619], %swap3A_1622 {strides = array<i32>} : memref<8x256xf32, #tpu.memory_space<vmem>>, vector<1x16xf32>,
        %get3A_1623 = arith.index_cast %mul3A_28 : i32 to index
        %get3A_1624 = arith.constant 224 : index
        %get3A_1625 = tpu.vector_load %arg7[%get3A_1623, %get3A_1624] {strides = array<i32>} : memref<128x256xf32, #tpu.memory_space<vmem>>, vector<1x16xf32>,
        %get3A_1626 = vector.shape_cast %get3A_1625 : vector<1x16xf32> to vector<16xf32>
        %add3A_1627 = arith.constant 1 : i32
        %add3A_1628 = arith.addi %mul3A_28, %add3A_1627 : i32
        %get3A_1629 = arith.index_cast %add3A_1628 : i32 to index
        %get3A_1630 = arith.constant 224 : index
        %get3A_1631 = tpu.vector_load %arg7[%get3A_1629, %get3A_1630] {strides = array<i32>} : memref<128x256xf32, #tpu.memory_space<vmem>>, vector<1x16xf32>,
        %get3A_1632 = vector.shape_cast %get3A_1631 : vector<1x16xf32> to vector<16xf32>
        %add3A_1633 = arith.addf %get3A_1626, %get3A_1632 : vector<16xf32>
        %add3A_1634 = arith.constant 2 : i32
        %add3A_1635 = arith.addi %mul3A_28, %add3A_1634 : i32
        %get3A_1636 = arith.index_cast %add3A_1635 : i32 to index
        %get3A_1637 = arith.constant 224 : index
        %get3A_1638 = tpu.vector_load %arg7[%get3A_1636, %get3A_1637] {strides = array<i32>} : memref<128x256xf32, #tpu.memory_space<vmem>>, vector<1x16xf32>,
        %get3A_1639 = vector.shape_cast %get3A_1638 : vector<1x16xf32> to vector<16xf32>
        %add3A_1640 = arith.addf %add3A_1633, %get3A_1639 : vector<16xf32>
        %add3A_1641 = arith.constant 3 : i32
        %add3A_1642 = arith.addi %mul3A_28, %add3A_1641 : i32
        %get3A_1643 = arith.index_cast %add3A_1642 : i32 to index
        %get3A_1644 = arith.constant 224 : index
        %get3A_1645 = tpu.vector_load %arg7[%get3A_1643, %get3A_1644] {strides = array<i32>} : memref<128x256xf32, #tpu.memory_space<vmem>>, vector<1x16xf32>,
        %get3A_1646 = vector.shape_cast %get3A_1645 : vector<1x16xf32> to vector<16xf32>
        %add3A_1647 = arith.addf %add3A_1640, %get3A_1646 : vector<16xf32>
        %add3A_1648 = arith.constant 4 : i32
        %add3A_1649 = arith.addi %mul3A_28, %add3A_1648 : i32
        %get3A_1650 = arith.index_cast %add3A_1649 : i32 to index
        %get3A_1651 = arith.constant 224 : index
        %get3A_1652 = tpu.vector_load %arg7[%get3A_1650, %get3A_1651] {strides = array<i32>} : memref<128x256xf32, #tpu.memory_space<vmem>>, vector<1x16xf32>,
        %get3A_1653 = vector.shape_cast %get3A_1652 : vector<1x16xf32> to vector<16xf32>
        %add3A_1654 = arith.addf %add3A_1647, %get3A_1653 : vector<16xf32>
        %add3A_1655 = arith.constant 5 : i32
        %add3A_1656 = arith.addi %mul3A_28, %add3A_1655 : i32
        %get3A_1657 = arith.index_cast %add3A_1656 : i32 to index
        %get3A_1658 = arith.constant 224 : index
        %get3A_1659 = tpu.vector_load %arg7[%get3A_1657, %get3A_1658] {strides = array<i32>} : memref<128x256xf32, #tpu.memory_space<vmem>>, vector<1x16xf32>,
        %get3A_1660 = vector.shape_cast %get3A_1659 : vector<1x16xf32> to vector<16xf32>
        %add3A_1661 = arith.addf %add3A_1654, %get3A_1660 : vector<16xf32>
        %add3A_1662 = arith.constant 6 : i32
        %add3A_1663 = arith.addi %mul3A_28, %add3A_1662 : i32
        %get3A_1664 = arith.index_cast %add3A_1663 : i32 to index
        %get3A_1665 = arith.constant 224 : index
        %get3A_1666 = tpu.vector_load %arg7[%get3A_1664, %get3A_1665] {strides = array<i32>} : memref<128x256xf32, #tpu.memory_space<vmem>>, vector<1x16xf32>,
        %get3A_1667 = vector.shape_cast %get3A_1666 : vector<1x16xf32> to vector<16xf32>
        %add3A_1668 = arith.addf %add3A_1661, %get3A_1667 : vector<16xf32>
        %add3A_1669 = arith.constant 7 : i32
        %add3A_1670 = arith.addi %mul3A_28, %add3A_1669 : i32
        %get3A_1671 = arith.index_cast %add3A_1670 : i32 to index
        %get3A_1672 = arith.constant 224 : index
        %get3A_1673 = tpu.vector_load %arg7[%get3A_1671, %get3A_1672] {strides = array<i32>} : memref<128x256xf32, #tpu.memory_space<vmem>>, vector<1x16xf32>,
        %get3A_1674 = vector.shape_cast %get3A_1673 : vector<1x16xf32> to vector<16xf32>
        %add3A_1675 = arith.addf %add3A_1668, %get3A_1674 : vector<16xf32>
        %add3A_1676 = arith.constant 8 : i32
        %add3A_1677 = arith.addi %mul3A_28, %add3A_1676 : i32
        %get3A_1678 = arith.index_cast %add3A_1677 : i32 to index
        %get3A_1679 = arith.constant 224 : index
        %get3A_1680 = tpu.vector_load %arg7[%get3A_1678, %get3A_1679] {strides = array<i32>} : memref<128x256xf32, #tpu.memory_space<vmem>>, vector<1x16xf32>,
        %get3A_1681 = vector.shape_cast %get3A_1680 : vector<1x16xf32> to vector<16xf32>
        %add3A_1682 = arith.addf %add3A_1675, %get3A_1681 : vector<16xf32>
        %add3A_1683 = arith.constant 9 : i32
        %add3A_1684 = arith.addi %mul3A_28, %add3A_1683 : i32
        %get3A_1685 = arith.index_cast %add3A_1684 : i32 to index
        %get3A_1686 = arith.constant 224 : index
        %get3A_1687 = tpu.vector_load %arg7[%get3A_1685, %get3A_1686] {strides = array<i32>} : memref<128x256xf32, #tpu.memory_space<vmem>>, vector<1x16xf32>,
        %get3A_1688 = vector.shape_cast %get3A_1687 : vector<1x16xf32> to vector<16xf32>
        %add3A_1689 = arith.addf %add3A_1682, %get3A_1688 : vector<16xf32>
        %add3A_1690 = arith.constant 10 : i32
        %add3A_1691 = arith.addi %mul3A_28, %add3A_1690 : i32
        %get3A_1692 = arith.index_cast %add3A_1691 : i32 to index
        %get3A_1693 = arith.constant 224 : index
        %get3A_1694 = tpu.vector_load %arg7[%get3A_1692, %get3A_1693] {strides = array<i32>} : memref<128x256xf32, #tpu.memory_space<vmem>>, vector<1x16xf32>,
        %get3A_1695 = vector.shape_cast %get3A_1694 : vector<1x16xf32> to vector<16xf32>
        %add3A_1696 = arith.addf %add3A_1689, %get3A_1695 : vector<16xf32>
        %add3A_1697 = arith.constant 11 : i32
        %add3A_1698 = arith.addi %mul3A_28, %add3A_1697 : i32
        %get3A_1699 = arith.index_cast %add3A_1698 : i32 to index
        %get3A_1700 = arith.constant 224 : index
        %get3A_1701 = tpu.vector_load %arg7[%get3A_1699, %get3A_1700] {strides = array<i32>} : memref<128x256xf32, #tpu.memory_space<vmem>>, vector<1x16xf32>,
        %get3A_1702 = vector.shape_cast %get3A_1701 : vector<1x16xf32> to vector<16xf32>
        %add3A_1703 = arith.addf %add3A_1696, %get3A_1702 : vector<16xf32>
        %add3A_1704 = arith.constant 12 : i32
        %add3A_1705 = arith.addi %mul3A_28, %add3A_1704 : i32
        %get3A_1706 = arith.index_cast %add3A_1705 : i32 to index
        %get3A_1707 = arith.constant 224 : index
        %get3A_1708 = tpu.vector_load %arg7[%get3A_1706, %get3A_1707] {strides = array<i32>} : memref<128x256xf32, #tpu.memory_space<vmem>>, vector<1x16xf32>,
        %get3A_1709 = vector.shape_cast %get3A_1708 : vector<1x16xf32> to vector<16xf32>
        %add3A_1710 = arith.addf %add3A_1703, %get3A_1709 : vector<16xf32>
        %add3A_1711 = arith.constant 13 : i32
        %add3A_1712 = arith.addi %mul3A_28, %add3A_1711 : i32
        %get3A_1713 = arith.index_cast %add3A_1712 : i32 to index
        %get3A_1714 = arith.constant 224 : index
        %get3A_1715 = tpu.vector_load %arg7[%get3A_1713, %get3A_1714] {strides = array<i32>} : memref<128x256xf32, #tpu.memory_space<vmem>>, vector<1x16xf32>,
        %get3A_1716 = vector.shape_cast %get3A_1715 : vector<1x16xf32> to vector<16xf32>
        %add3A_1717 = arith.addf %add3A_1710, %get3A_1716 : vector<16xf32>
        %add3A_1718 = arith.constant 14 : i32
        %add3A_1719 = arith.addi %mul3A_28, %add3A_1718 : i32
        %get3A_1720 = arith.index_cast %add3A_1719 : i32 to index
        %get3A_1721 = arith.constant 224 : index
        %get3A_1722 = tpu.vector_load %arg7[%get3A_1720, %get3A_1721] {strides = array<i32>} : memref<128x256xf32, #tpu.memory_space<vmem>>, vector<1x16xf32>,
        %get3A_1723 = vector.shape_cast %get3A_1722 : vector<1x16xf32> to vector<16xf32>
        %add3A_1724 = arith.addf %add3A_1717, %get3A_1723 : vector<16xf32>
        %add3A_1725 = arith.constant 15 : i32
        %add3A_1726 = arith.addi %mul3A_28, %add3A_1725 : i32
        %get3A_1727 = arith.index_cast %add3A_1726 : i32 to index
        %get3A_1728 = arith.constant 224 : index
        %get3A_1729 = tpu.vector_load %arg7[%get3A_1727, %get3A_1728] {strides = array<i32>} : memref<128x256xf32, #tpu.memory_space<vmem>>, vector<1x16xf32>,
        %get3A_1730 = vector.shape_cast %get3A_1729 : vector<1x16xf32> to vector<16xf32>
        %add3A_1731 = arith.addf %add3A_1724, %get3A_1730 : vector<16xf32>
        %swap3A_1732 = arith.index_cast %scan3A_26 : i32 to index
        %swap3A_1733 = arith.constant 224 : index
        %swap3A_1734 = tpu.vector_load %arg8[%swap3A_1732, %swap3A_1733] {strides = array<i32>} : memref<8x256xf32, #tpu.memory_space<vmem>>, vector<1x16xf32>,
        %swap3A_1735 = vector.shape_cast %swap3A_1734 : vector<1x16xf32> to vector<16xf32>
        %swap3A_1736 = vector.shape_cast %add3A_1731 : vector<16xf32> to vector<1x16xf32>
        tpu.vector_store %arg8[%swap3A_1732, %swap3A_1733], %swap3A_1736 {strides = array<i32>} : memref<8x256xf32, #tpu.memory_space<vmem>>, vector<1x16xf32>,
        %get3A_1737 = arith.index_cast %mul3A_28 : i32 to index
        %get3A_1738 = arith.constant 240 : index
        %get3A_1739 = tpu.vector_load %arg7[%get3A_1737, %get3A_1738] {strides = array<i32>} : memref<128x256xf32, #tpu.memory_space<vmem>>, vector<1x16xf32>,
        %get3A_1740 = vector.shape_cast %get3A_1739 : vector<1x16xf32> to vector<16xf32>
        %add3A_1741 = arith.constant 1 : i32
        %add3A_1742 = arith.addi %mul3A_28, %add3A_1741 : i32
        %get3A_1743 = arith.index_cast %add3A_1742 : i32 to index
        %get3A_1744 = arith.constant 240 : index
        %get3A_1745 = tpu.vector_load %arg7[%get3A_1743, %get3A_1744] {strides = array<i32>} : memref<128x256xf32, #tpu.memory_space<vmem>>, vector<1x16xf32>,
        %get3A_1746 = vector.shape_cast %get3A_1745 : vector<1x16xf32> to vector<16xf32>
        %add3A_1747 = arith.addf %get3A_1740, %get3A_1746 : vector<16xf32>
        %add3A_1748 = arith.constant 2 : i32
        %add3A_1749 = arith.addi %mul3A_28, %add3A_1748 : i32
        %get3A_1750 = arith.index_cast %add3A_1749 : i32 to index
        %get3A_1751 = arith.constant 240 : index
        %get3A_1752 = tpu.vector_load %arg7[%get3A_1750, %get3A_1751] {strides = array<i32>} : memref<128x256xf32, #tpu.memory_space<vmem>>, vector<1x16xf32>,
        %get3A_1753 = vector.shape_cast %get3A_1752 : vector<1x16xf32> to vector<16xf32>
        %add3A_1754 = arith.addf %add3A_1747, %get3A_1753 : vector<16xf32>
        %add3A_1755 = arith.constant 3 : i32
        %add3A_1756 = arith.addi %mul3A_28, %add3A_1755 : i32
        %get3A_1757 = arith.index_cast %add3A_1756 : i32 to index
        %get3A_1758 = arith.constant 240 : index
        %get3A_1759 = tpu.vector_load %arg7[%get3A_1757, %get3A_1758] {strides = array<i32>} : memref<128x256xf32, #tpu.memory_space<vmem>>, vector<1x16xf32>,
        %get3A_1760 = vector.shape_cast %get3A_1759 : vector<1x16xf32> to vector<16xf32>
        %add3A_1761 = arith.addf %add3A_1754, %get3A_1760 : vector<16xf32>
        %add3A_1762 = arith.constant 4 : i32
        %add3A_1763 = arith.addi %mul3A_28, %add3A_1762 : i32
        %get3A_1764 = arith.index_cast %add3A_1763 : i32 to index
        %get3A_1765 = arith.constant 240 : index
        %get3A_1766 = tpu.vector_load %arg7[%get3A_1764, %get3A_1765] {strides = array<i32>} : memref<128x256xf32, #tpu.memory_space<vmem>>, vector<1x16xf32>,
        %get3A_1767 = vector.shape_cast %get3A_1766 : vector<1x16xf32> to vector<16xf32>
        %add3A_1768 = arith.addf %add3A_1761, %get3A_1767 : vector<16xf32>
        %add3A_1769 = arith.constant 5 : i32
        %add3A_1770 = arith.addi %mul3A_28, %add3A_1769 : i32
        %get3A_1771 = arith.index_cast %add3A_1770 : i32 to index
        %get3A_1772 = arith.constant 240 : index
        %get3A_1773 = tpu.vector_load %arg7[%get3A_1771, %get3A_1772] {strides = array<i32>} : memref<128x256xf32, #tpu.memory_space<vmem>>, vector<1x16xf32>,
        %get3A_1774 = vector.shape_cast %get3A_1773 : vector<1x16xf32> to vector<16xf32>
        %add3A_1775 = arith.addf %add3A_1768, %get3A_1774 : vector<16xf32>
        %add3A_1776 = arith.constant 6 : i32
        %add3A_1777 = arith.addi %mul3A_28, %add3A_1776 : i32
        %get3A_1778 = arith.index_cast %add3A_1777 : i32 to index
        %get3A_1779 = arith.constant 240 : index
        %get3A_1780 = tpu.vector_load %arg7[%get3A_1778, %get3A_1779] {strides = array<i32>} : memref<128x256xf32, #tpu.memory_space<vmem>>, vector<1x16xf32>,
        %get3A_1781 = vector.shape_cast %get3A_1780 : vector<1x16xf32> to vector<16xf32>
        %add3A_1782 = arith.addf %add3A_1775, %get3A_1781 : vector<16xf32>
        %add3A_1783 = arith.constant 7 : i32
        %add3A_1784 = arith.addi %mul3A_28, %add3A_1783 : i32
        %get3A_1785 = arith.index_cast %add3A_1784 : i32 to index
        %get3A_1786 = arith.constant 240 : index
        %get3A_1787 = tpu.vector_load %arg7[%get3A_1785, %get3A_1786] {strides = array<i32>} : memref<128x256xf32, #tpu.memory_space<vmem>>, vector<1x16xf32>,
        %get3A_1788 = vector.shape_cast %get3A_1787 : vector<1x16xf32> to vector<16xf32>
        %add3A_1789 = arith.addf %add3A_1782, %get3A_1788 : vector<16xf32>
        %add3A_1790 = arith.constant 8 : i32
        %add3A_1791 = arith.addi %mul3A_28, %add3A_1790 : i32
        %get3A_1792 = arith.index_cast %add3A_1791 : i32 to index
        %get3A_1793 = arith.constant 240 : index
        %get3A_1794 = tpu.vector_load %arg7[%get3A_1792, %get3A_1793] {strides = array<i32>} : memref<128x256xf32, #tpu.memory_space<vmem>>, vector<1x16xf32>,
        %get3A_1795 = vector.shape_cast %get3A_1794 : vector<1x16xf32> to vector<16xf32>
        %add3A_1796 = arith.addf %add3A_1789, %get3A_1795 : vector<16xf32>
        %add3A_1797 = arith.constant 9 : i32
        %add3A_1798 = arith.addi %mul3A_28, %add3A_1797 : i32
        %get3A_1799 = arith.index_cast %add3A_1798 : i32 to index
        %get3A_1800 = arith.constant 240 : index
        %get3A_1801 = tpu.vector_load %arg7[%get3A_1799, %get3A_1800] {strides = array<i32>} : memref<128x256xf32, #tpu.memory_space<vmem>>, vector<1x16xf32>,
        %get3A_1802 = vector.shape_cast %get3A_1801 : vector<1x16xf32> to vector<16xf32>
        %add3A_1803 = arith.addf %add3A_1796, %get3A_1802 : vector<16xf32>
        %add3A_1804 = arith.constant 10 : i32
        %add3A_1805 = arith.addi %mul3A_28, %add3A_1804 : i32
        %get3A_1806 = arith.index_cast %add3A_1805 : i32 to index
        %get3A_1807 = arith.constant 240 : index
        %get3A_1808 = tpu.vector_load %arg7[%get3A_1806, %get3A_1807] {strides = array<i32>} : memref<128x256xf32, #tpu.memory_space<vmem>>, vector<1x16xf32>,
        %get3A_1809 = vector.shape_cast %get3A_1808 : vector<1x16xf32> to vector<16xf32>
        %add3A_1810 = arith.addf %add3A_1803, %get3A_1809 : vector<16xf32>
        %add3A_1811 = arith.constant 11 : i32
        %add3A_1812 = arith.addi %mul3A_28, %add3A_1811 : i32
        %get3A_1813 = arith.index_cast %add3A_1812 : i32 to index
        %get3A_1814 = arith.constant 240 : index
        %get3A_1815 = tpu.vector_load %arg7[%get3A_1813, %get3A_1814] {strides = array<i32>} : memref<128x256xf32, #tpu.memory_space<vmem>>, vector<1x16xf32>,
        %get3A_1816 = vector.shape_cast %get3A_1815 : vector<1x16xf32> to vector<16xf32>
        %add3A_1817 = arith.addf %add3A_1810, %get3A_1816 : vector<16xf32>
        %add3A_1818 = arith.constant 12 : i32
        %add3A_1819 = arith.addi %mul3A_28, %add3A_1818 : i32
        %get3A_1820 = arith.index_cast %add3A_1819 : i32 to index
        %get3A_1821 = arith.constant 240 : index
        %get3A_1822 = tpu.vector_load %arg7[%get3A_1820, %get3A_1821] {strides = array<i32>} : memref<128x256xf32, #tpu.memory_space<vmem>>, vector<1x16xf32>,
        %get3A_1823 = vector.shape_cast %get3A_1822 : vector<1x16xf32> to vector<16xf32>
        %add3A_1824 = arith.addf %add3A_1817, %get3A_1823 : vector<16xf32>
        %add3A_1825 = arith.constant 13 : i32
        %add3A_1826 = arith.addi %mul3A_28, %add3A_1825 : i32
        %get3A_1827 = arith.index_cast %add3A_1826 : i32 to index
        %get3A_1828 = arith.constant 240 : index
        %get3A_1829 = tpu.vector_load %arg7[%get3A_1827, %get3A_1828] {strides = array<i32>} : memref<128x256xf32, #tpu.memory_space<vmem>>, vector<1x16xf32>,
        %get3A_1830 = vector.shape_cast %get3A_1829 : vector<1x16xf32> to vector<16xf32>
        %add3A_1831 = arith.addf %add3A_1824, %get3A_1830 : vector<16xf32>
        %add3A_1832 = arith.constant 14 : i32
        %add3A_1833 = arith.addi %mul3A_28, %add3A_1832 : i32
        %get3A_1834 = arith.index_cast %add3A_1833 : i32 to index
        %get3A_1835 = arith.constant 240 : index
        %get3A_1836 = tpu.vector_load %arg7[%get3A_1834, %get3A_1835] {strides = array<i32>} : memref<128x256xf32, #tpu.memory_space<vmem>>, vector<1x16xf32>,
        %get3A_1837 = vector.shape_cast %get3A_1836 : vector<1x16xf32> to vector<16xf32>
        %add3A_1838 = arith.addf %add3A_1831, %get3A_1837 : vector<16xf32>
        %add3A_1839 = arith.constant 15 : i32
        %add3A_1840 = arith.addi %mul3A_28, %add3A_1839 : i32
        %get3A_1841 = arith.index_cast %add3A_1840 : i32 to index
        %get3A_1842 = arith.constant 240 : index
        %get3A_1843 = tpu.vector_load %arg7[%get3A_1841, %get3A_1842] {strides = array<i32>} : memref<128x256xf32, #tpu.memory_space<vmem>>, vector<1x16xf32>,
        %get3A_1844 = vector.shape_cast %get3A_1843 : vector<1x16xf32> to vector<16xf32>
        %add3A_1845 = arith.addf %add3A_1838, %get3A_1844 : vector<16xf32>
        %swap3A_1846 = arith.index_cast %scan3A_26 : i32 to index
        %swap3A_1847 = arith.constant 240 : index
        %swap3A_1848 = tpu.vector_load %arg8[%swap3A_1846, %swap3A_1847] {strides = array<i32>} : memref<8x256xf32, #tpu.memory_space<vmem>>, vector<1x16xf32>,
        %swap3A_1849 = vector.shape_cast %swap3A_1848 : vector<1x16xf32> to vector<16xf32>
        %swap3A_1850 = vector.shape_cast %add3A_1845 : vector<16xf32> to vector<1x16xf32>
        tpu.vector_store %arg8[%swap3A_1846, %swap3A_1847], %swap3A_1850 {strides = array<i32>} : memref<8x256xf32, #tpu.memory_space<vmem>>, vector<1x16xf32>,
      }
      %scan3A_25 = arith.constant 8 : i32
      "tpu.region"() ({
        %run_scoped3A = tpu.sem_alloc : memref<!tpu.dma_semaphore, #tpu.memory_space<semaphore_mem>>
        %dma_start3A_26 = arith.constant 0 : i32
        %dma_start3A_27 = tpu.memref_slice %arg5[%add3A_13, %dma_start3A_26] : memref<32769x256xf32, #tpu.memory_space<hbm>> -> memref<8x256xf32, #tpu.memory_space<hbm>>
        %dma_start3A_28 = arith.constant 0 : i32
        %dma_start3A_29 = tpu.memref_slice %arg5[%add3A_13, %dma_start3A_28] : memref<32769x256xf32, #tpu.memory_space<hbm>> -> memref<8x256xf32, #tpu.memory_space<hbm>>
        tpu.enqueue_dma source(%arg8 : memref<8x256xf32, #tpu.memory_space<vmem>>) target(%dma_start3A_29 : memref<8x256xf32, #tpu.memory_space<hbm>>) target_semaphore(%run_scoped3A : memref<!tpu.dma_semaphore, #tpu.memory_space<semaphore_mem>>)
        %dma_wait3A_30 = arith.constant 0 : i32
        %dma_wait3A_31 = tpu.memref_slice %arg5[%add3A_13, %dma_wait3A_30] : memref<32769x256xf32, #tpu.memory_space<hbm>> -> memref<8x256xf32, #tpu.memory_space<hbm>>
        %dma_wait3A_32 = arith.constant 0 : i32
        %dma_wait3A_33 = tpu.memref_slice %arg5[%add3A_13, %dma_wait3A_32] : memref<32769x256xf32, #tpu.memory_space<hbm>> -> memref<8x256xf32, #tpu.memory_space<hbm>>
        tpu.wait_dma2 semaphore(%run_scoped3A : memref<!tpu.dma_semaphore, #tpu.memory_space<semaphore_mem>>) src(%arg8 : memref<8x256xf32, #tpu.memory_space<vmem>>) dst(%dma_wait3A_33 : memref<8x256xf32, #tpu.memory_space<hbm>>)
        tpu.yield
      }) : () -> ()
    }
    %scan3A_7 = arith.constant 128 : i32
    %eq3A = arith.constant 0 : i32
    %eq3A_8 = arith.cmpi eq, %add3A, %eq3A : i32
    %convert_element_type3A = arith.extui %eq3A_8 : i1 to i32
    %cond3A = arith.constant 0 : i32
    %cond3A_9 = arith.cmpi ne, %convert_element_type3A, %cond3A : i32
    scf.if %cond3A_9 {
      "tpu.region"() ({
        %run_scoped3A = tpu.sem_alloc : memref<!tpu.dma_semaphore, #tpu.memory_space<semaphore_mem>>
        %dma_start3A = arith.constant 32768 : i32
        %dma_start3A_10 = arith.constant 0 : i32
        %dma_start3A_11 = tpu.memref_slice %arg3[%dma_start3A, %dma_start3A_10] : memref<32769x256xf32, #tpu.memory_space<hbm>> -> memref<1x256xf32, #tpu.memory_space<hbm>>
        %dma_start3A_12 = arith.constant 32768 : i32
        %dma_start3A_13 = arith.constant 0 : i32
        %dma_start3A_14 = tpu.memref_slice %arg3[%dma_start3A_12, %dma_start3A_13] : memref<32769x256xf32, #tpu.memory_space<hbm>> -> memref<1x256xf32, #tpu.memory_space<hbm>>
        tpu.enqueue_dma source(%dma_start3A_14 : memref<1x256xf32, #tpu.memory_space<hbm>>) target(%arg9 : memref<1x256xf32, #tpu.memory_space<vmem>>) target_semaphore(%run_scoped3A : memref<!tpu.dma_semaphore, #tpu.memory_space<semaphore_mem>>)
        %dma_wait3A = arith.constant 32768 : i32
        %dma_wait3A_15 = arith.constant 0 : i32
        %dma_wait3A_16 = tpu.memref_slice %arg3[%dma_wait3A, %dma_wait3A_15] : memref<32769x256xf32, #tpu.memory_space<hbm>> -> memref<1x256xf32, #tpu.memory_space<hbm>>
        %dma_wait3A_17 = arith.constant 32768 : i32
        %dma_wait3A_18 = arith.constant 0 : i32
        %dma_wait3A_19 = tpu.memref_slice %arg3[%dma_wait3A_17, %dma_wait3A_18] : memref<32769x256xf32, #tpu.memory_space<hbm>> -> memref<1x256xf32, #tpu.memory_space<hbm>>
        tpu.wait_dma2 semaphore(%run_scoped3A : memref<!tpu.dma_semaphore, #tpu.memory_space<semaphore_mem>>) src(%dma_wait3A_19 : memref<1x256xf32, #tpu.memory_space<hbm>>) dst(%arg9 : memref<1x256xf32, #tpu.memory_space<vmem>>)
        tpu.yield
      }) : () -> ()
      "tpu.region"() ({
        %run_scoped3A = tpu.sem_alloc : memref<!tpu.dma_semaphore, #tpu.memory_space<semaphore_mem>>
        %dma_start3A = arith.constant 32768 : i32
        %dma_start3A_10 = arith.constant 0 : i32
        %dma_start3A_11 = tpu.memref_slice %arg5[%dma_start3A, %dma_start3A_10] : memref<32769x256xf32, #tpu.memory_space<hbm>> -> memref<1x256xf32, #tpu.memory_space<hbm>>
        %dma_start3A_12 = arith.constant 32768 : i32
        %dma_start3A_13 = arith.constant 0 : i32
        %dma_start3A_14 = tpu.memref_slice %arg5[%dma_start3A_12, %dma_start3A_13] : memref<32769x256xf32, #tpu.memory_space<hbm>> -> memref<1x256xf32, #tpu.memory_space<hbm>>
        tpu.enqueue_dma source(%arg9 : memref<1x256xf32, #tpu.memory_space<vmem>>) target(%dma_start3A_14 : memref<1x256xf32, #tpu.memory_space<hbm>>) target_semaphore(%run_scoped3A : memref<!tpu.dma_semaphore, #tpu.memory_space<semaphore_mem>>)
        %dma_wait3A = arith.constant 32768 : i32
        %dma_wait3A_15 = arith.constant 0 : i32
        %dma_wait3A_16 = tpu.memref_slice %arg5[%dma_wait3A, %dma_wait3A_15] : memref<32769x256xf32, #tpu.memory_space<hbm>> -> memref<1x256xf32, #tpu.memory_space<hbm>>
        %dma_wait3A_17 = arith.constant 32768 : i32
        %dma_wait3A_18 = arith.constant 0 : i32
        %dma_wait3A_19 = tpu.memref_slice %arg5[%dma_wait3A_17, %dma_wait3A_18] : memref<32769x256xf32, #tpu.memory_space<hbm>> -> memref<1x256xf32, #tpu.memory_space<hbm>>
        tpu.wait_dma2 semaphore(%run_scoped3A : memref<!tpu.dma_semaphore, #tpu.memory_space<semaphore_mem>>) src(%arg9 : memref<1x256xf32, #tpu.memory_space<vmem>>) dst(%dma_wait3A_19 : memref<1x256xf32, #tpu.memory_space<hbm>>)
        tpu.yield
      }) : () -> ()
    } else {
    }
    return
  }
}

</mosaic_0001>

<sc_bundles>
// kernel: kernel.3.cloned.1.call-start
scs
__scs_entry_jumppad:
0x0: {  	(pc) =	sbr.rel $0x88, $3  }
0x1: {  	(tag) =	ssettag $0x0;
	lr =	simm.s32 $0x1  }
0x2: {  	[smem:$0x3F9E] =	sst lr;
	_ =	strace $0xD0000000  }
0x3: {  	_ = 	snop  }
0x4: {  	_ = 	snop  }
0x5: {  	_ = 	snop  }
0x6: {  	_ = 	snop  }
0x7: {  	_ = 	snop  }
__scs_overlays_trampoline_lowered:
0x8: {  	[smem:$0x3FAD] =	sst s0  }
0x9: {  	[smem:$0x3FAE] =	sst s1  }
0xa: {  	[smem:$0x3FAF] =	sst s2  }
0xb: {  	[smem:$0x3FB0] =	sst s3  }
0xc: {  	[smem:$0x3FB1] =	sst s4  }
0xd: {  	[smem:$0x3FB2] =	sst s5  }
0xe: {  	[smem:$0x3FB3] =	sst s6  }
0xf: {  	[smem:$0x3FB4] =	sst s7  }
0x10: {  	[smem:$0x3FB5] =	sst s8  }
0x11: {  	[smem:$0x3FB6] =	sst s9;
	s0 =	simm.s32 @!p0 $0x0  }
0x12: {  	s1 =	sld [smem:$0x3F9C];
	s0 =	simm.s32 @p0 $0x1  }
0x13: {  	[smem:$0x3FB7] =	sst s0;
	s0 =	simm.s32 @!p1 $0x0  }
0x14: {  	s2 =	sld [smem:$0x3F9B];
	s0 =	simm.s32 @p1 $0x1  }
0x15: {  	[smem:$0x3FB8] =	sst s0;
	s0 =	simm.s32 @!p2 $0x0  }
0x16: {  	s3 =	sld [smem:$0x3FDB];
	s0 =	simm.s32 @p2 $0x1  }
0x17: {  	s4 =	simm.s32 $0x1BF5;
	[smem:$0x3FBA] =	sst s0  }
0x18: {  	s0 =	sld [smem:$0x3F9D];
	_ =	swait.ge [sflag:s4], $0x0  }
0x19: {  	s7 =	sld [smem:$0x3F9E]  }
0x1a: {  	s8 =	sadd.s32 $0xFFFFE003, lr  }
0x1b: {  	s9 =	sadd.s32 $0xFFFFFEF7, lr;
	s5 =	simm.s32 $0xFFFFFFFF;
	p2 =	slt.u32 s8, $0xFFFFF086  }
0x1c: {  	p1 =	slt.u32 s9, $0xF7A;
	s5 =	simm.s32 @!p2 $0x0  }
0x1d: {  	s5 =	simm.s32 @p1 $0x1;
	p0 =	seq.s32 s7, s2  }
0x1e: {  	s7 =	smul.u32 @!p0 $0xF7A, s2;
	p2 =	seq.s32 @!p0 s5, $0x0  }
0x1f: {  	s9 =	smul.u32 $0xF7A, s1;
	s8 =	simm.s32 @!p0 $0x1BF5;
	p2 =	por !p2, p0  }
0x20: {  	[sflag:s8] =	ssyncset.s32 @!p0 $0xFFFFF086;
	s6 =	sadd.s32 @!p0 s3, s7;
	s7 =	simm.s32 @!p0 $0x108  }
0x21: {  	s3 =	sadd.s32 s3, s9;
	s6 =	sadd.s32 @!p0 $0x88, s6;
	s7 =	simm.s32 @p2 $0x1082  }
0x22: {  	[simem:s7], [sflag:s8] =	dma.local @!p0 [hbm:s6], $0xF7A  }
0x23: {  	s9 =	sor.u32 $0xD0000000, s2;
	s6 =	simm.s32 $0x108;
	_ =	swait.ge @!p0 [sflag:s8], $0x0  }
0x24: {  	s3 =	sadd.s32 $0x88, s3;
	s6 =	simm.s32 @!p1 $0x1082;
	[sflag:s4] =	ssyncset.s32 $0xFFFFF086  }
0x25: {  	[simem:s6], [sflag:s4] =	dma.local [hbm:s3], $0xF7A  }
0x26: {  	[smem:$0x3F9E] =	sst s1;
	(tag) =	ssettag s2;
	_ =	strace s9  }
0x27: {  	s1 =	sld [smem:$0x3FAE]  }
0x28: {  	s2 =	sld [smem:$0x3FAF]  }
0x29: {  	s4 =	sld [smem:$0x3FB1]  }
0x2a: {  	p0 =	seq.s32 s5, $0x0;
	s5 =	sld [smem:$0x3FB2]  }
0x2b: {  	s6 =	sld [smem:$0x3FB3]  }
0x2c: {  	s7 =	sld [smem:$0x3FB4]  }
0x2d: {  	s3 =	simm.s32 $0x108;
	s8 =	sld [smem:$0x3FB5]  }
0x2e: {  	s3 =	simm.s32 @!p0 $0x1082;
	s9 =	sld [smem:$0x3FB6]  }
0x2f: {  	lr =	sadd.s32 s0, s3;
	s0 =	sld [smem:$0x3FAD]  }
0x30: {  	s3 =	sld [smem:$0x3FB0]  }
0x31: {  	[smem:$0x3FB9] =	sst s10  }
0x32: {  	s10 =	sld [smem:$0x3FB7];
	_ =	sdelay $0x3  }
0x33: {  	p0 =	seq.s32 s10, $0x1;
	s10 =	sld [smem:$0x3FB9];
	_ =	sdelay $0x3  }
0x34: {  	[smem:$0x3FB9] =	sst s10  }
0x35: {  	s10 =	sld [smem:$0x3FB8];
	_ =	sdelay $0x3  }
0x36: {  	p1 =	seq.s32 s10, $0x1;
	s10 =	sld [smem:$0x3FB9];
	_ =	sdelay $0x3  }
0x37: {  	[smem:$0x3FB9] =	sst s10  }
0x38: {  	s10 =	sld [smem:$0x3FBA]  }
0x39: {  	_ = 	snop;
	(pc) =	sbr.ind lr, $3  }
0x3a: {  	_ = 	snop  }
0x3b: {  	_ = 	snop  }
0x3c: {  	p2 =	seq.s32 s10, $0x1;
	s10 =	sld [smem:$0x3FB9]  }
0x3d: {  	_ =	shalt  }
0x3e: {  	_ =	shalt  }
0x3f: {  	_ =	shalt  }
0x40: {  	_ =	shalt  }
0x41: {  	_ =	shalt  }
0x42: {  	_ =	shalt  }
0x43: {  	_ =	shalt  }
0x44: {  	_ =	shalt  }
0x45: {  	_ =	shalt  }
0x46: {  	_ =	shalt  }
0x47: {  	_ =	shalt  }
0x48: {  	_ =	shalt  }
0x49: {  	_ =	shalt  }
0x4a: {  	_ =	shalt  }
0x4b: {  	_ =	shalt  }
0x4c: {  	_ =	shalt  }
0x4d: {  	_ =	shalt  }
0x4e: {  	_ =	shalt  }
0x4f: {  	_ =	shalt  }
0x50: {  	_ =	shalt  }
0x51: {  	_ =	shalt  }
0x52: {  	_ =	shalt  }
0x53: {  	_ =	shalt  }
0x54: {  	_ =	shalt  }
0x55: {  	_ =	shalt  }
0x56: {  	_ =	shalt  }
0x57: {  	_ =	shalt  }
0x58: {  	_ =	shalt  }
0x59: {  	_ =	shalt  }
0x5a: {  	_ =	shalt  }
0x5b: {  	_ =	shalt  }
0x5c: {  	_ =	shalt  }
0x5d: {  	_ =	shalt  }
0x5e: {  	_ =	shalt  }
0x5f: {  	_ =	shalt  }
0x60: {  	_ =	shalt  }
0x61: {  	_ =	shalt  }
0x62: {  	_ =	shalt  }
0x63: {  	_ =	shalt  }
0x64: {  	_ =	shalt  }
0x65: {  	_ =	shalt  }
0x66: {  	_ =	shalt  }
0x67: {  	_ =	shalt  }
0x68: {  	_ =	shalt  }
0x69: {  	_ =	shalt  }
0x6a: {  	_ =	shalt  }
0x6b: {  	_ =	shalt  }
0x6c: {  	_ =	shalt  }
0x6d: {  	_ =	shalt  }
0x6e: {  	_ =	shalt  }
0x6f: {  	_ =	shalt  }
0x70: {  	_ =	shalt  }
0x71: {  	_ =	shalt  }
0x72: {  	_ =	shalt  }
0x73: {  	_ =	shalt  }
0x74: {  	_ =	shalt  }
0x75: {  	_ =	shalt  }
0x76: {  	_ =	shalt  }
0x77: {  	_ =	shalt  }
0x78: {  	_ =	shalt  }
0x79: {  	_ =	shalt  }
0x7a: {  	_ =	shalt  }
0x7b: {  	_ =	shalt  }
0x7c: {  	_ =	shalt  }
0x7d: {  	_ =	shalt  }
0x7e: {  	_ =	shalt  }
0x7f: {  	_ =	shalt  }
0x80: {  	_ =	shalt  }
0x81: {  	_ =	shalt  }
0x82: {  	_ =	shalt  }
0x83: {  	_ =	shalt  }
0x84: {  	_ =	shalt  }
0x85: {  	_ =	shalt  }
0x86: {  	_ =	shalt  }
0x87: {  	_ =	shalt  }
.Lfunc_end0:
.L_simem_size_0:
called_computation_lowered:
.L_overlay_start_0:
0x88: {  	s2 =	sld [smem:$0x3FD9]  }
0x89: {  	s3 =	sld [smem:$0x3FFE];
	_ =	sdelay $0x1  }
0x8a: {  	s1 =	srdreg.scid  }
0x8b: {  	s0 =	sand.u32 $0x1, s1  }
0x8c: {  	s17 =	sshll.u32 s0, $0xA;
	s2 =	sadd.s32 s3, s2  }
0x8d: {  	s2 =	sadd.s32 s2, s17  }
0x8e: {  	[smem:$0x3FC5] =	sst s2  }
0x8f: {  	_ = 	snop  }
0x90: {  	s2 =	sld [smem:$0x3FC9]  }
0x91: {  	s18 =	sld [smem:$0x3FC8]  }
0x92: {  	s4 =	sld [smem:$0x3FD0];
	(tm) =	ssettm $0x1  }
0x93: {  	s5 =	sld [smem:$0x3FFB];
	_ =	sdelay $0x3  }
0x94: {  	_ =	strace s5  }
0x95: {  	s5 =	sld [smem:$0x3FFC];
	_ =	sdelay $0x3  }
0x96: {  	_ =	strace s5  }
0x97: {  	s5 =	sld [smem:$0x3FFD];
	_ =	sdelay $0x3  }
0x98: {  	_ =	strace s5  }
0x99: {  	_ =	strace $0x8FFFFFFF  }
0x9a: {  	s19 =	sld [smem:$0x3FDB];
	_ =	sdelay $0x1  }
0x9b: {  	s6 =	simm.s32 $_scs_section_size  }
0x9c: {  	s7 =	simm.s32 $_size__tile_overlayer_lowered;
	s8 =	simm.s32 $_tile_overlayer_lowered  }
0x9d: {  	s22 =	simm.s32 $0x1BFF;
	s21 =	sshll.u32 s8, $0x1;
	s5 =	sadd.s32 s6, s19  }
0x9e: {  	s9 =	simm.s32 $0x0;
	s20 =	sshll.u32 s7, $0x1;
	s7 =	sadd.s32 s21, s5  }
0x9f: {  	[timem:s9], [sflag:s22] =	dma.local [hbm:s7], s20  }
0xa0: {  	_ =	swait.ge [sflag:s22], s20  }
0xa1: {  	s6 =	ssub.s32 $0x0, s20;
	[sflag:s22] =	ssyncset.done $0x0  }
0xa2: {  	[sflag:s22] =	ssyncadd.s32 s6;
	_ =	sdelay $0x1  }
0xa3: {  	s23 =	simm.s32 $0x1B8B  }
0xa4: {  	_ =	swait.ge [sflag:s23], $0x1  }
0xa5: {  	[sflag:s23] =	ssyncset.done $0x0  }
0xa6: {  	s25 =	simm.s32 $0x1B8E;
	s24 =	sld [smem:$0x3FFE];
	[sflag:s23] =	ssyncadd.s32 $0xFFFFFFFF  }
0xa7: {  	s26 =	simm.s32 $execute0_lowered;
	[smem:$0x3FD2] =	sst s25  }
0xa8: {  	s7 =	sshll.u32 s26, $0x1;
	_ =	strace $0x80000046;
	[dreg:$0x1] =	wrdreg $0xFFFFFFFF  }
0xa9: {  	s28 =	simm.s32 $_size_execute0_lowered;
	s5 =	sadd.s32 s5, s7;
	[dreg:$0x0] =	wrdreg $0x0  }
0xaa: {  	s7 =	sshll.u32 s28, $0x1;
	[dreg:$0x2] =	wrdreg s5  }
0xab: {  	[dreg:$0x3] =	wrdreg s7  }
0xac: {  	[dreg:$0x4] =	wrdreg $0xC0  }
0xad: {  	_ =	task [dreg:s9], $0x5FFFF  }
0xae: {  	[dreg:$0x1] =	wrdreg $0xFFFFFFFF  }
0xaf: {  	[dreg:$0x0] =	wrdreg $0x60  }
0xb0: {  	[dreg:$0x2] =	wrdreg s2  }
0xb1: {  	[dreg:$0x3] =	wrdreg s18  }
0xb2: {  	[dreg:$0x4] =	wrdreg s24  }
0xb3: {  	[dreg:$0x5] =	wrdreg s4  }
0xb4: {  	[dreg:$0x6] =	wrdreg $0x9  }
0xb5: {  	_ =	task.clear_ibuf [dreg:s9], $0x7FFFF;
	_ =	strace $0x90000046  }
0xb6: {  	s29 =	simm.s32 $0x9;
	_ =	strace $0x80000048  }
0xb7: {  	_ =	swait.ge [sflag:s29], $0x1  }
0xb8: {  	[sflag:s29] =	ssyncadd.s32 $0xFFFFFFFF  }
0xb9: {  	_ =	strace $0x90000048  }
0xba: {  	_ =	sfence  }
0xbb: {  	s30 =	sld [smem:$0x0];
	_ =	sdelay $0x2  }
0xbc: {  	s31 =	sshll.u32 s1, $0xD;
	s1 =	sshrl.u32 s1, $0x2  }
0xbd: {  	s3 =	sand.u32 $0x4000, s31;
	s1 =	sadd.s32 s1, s30  }
0xbe: {  	s0 =	sor.u32 s3, s0;
	s1 =	sshll.u32 s1, $0x11  }
0xbf: {  	s0 =	sor.u32 s1, s0  }
0xc0: {  	s0 =	sadd.s32 $0x8F2B, s0  }
0xc1: {  	[sflag:s0] =	ssyncadd.remote.s32 $0x1  }
0xc2: {  	_ =	sfence.sel $0xFFFF  }
0xc3: {  	[dreg:$0x0] =	wrdreg $0xFFFFFFFF;
	(pc) =	sbr.abs _section_cstart, $3  }
0xc4: {  	[dreg:$0x1] =	wrdreg $0xFFFFFFFF  }
0xc5: {  	_ =	task.clear_ibuf [dreg:s9], $0x2FFFF;
	_ =	strace $0x9FFFFFFF  }
0xc6: {  	(tm) =	ssettm $0x7FFFFFFF  }
0xc7: {  	_ =	shalt  }
tec
execute0_lowered:
.L_overlay_start_1:
0x0: {  	(tag) =	ssettag $0x1  }
0x1: {  	s1 =	rddreg [dreg:$0x0]  }
0x2: {  	s0 =	rddreg [dreg:$0x1]  }
0x3: {  	s2 =	rddreg [dreg:$0x2]  }
0x4: {  	s3 =	rddreg [dreg:$0x3]  }
0x5: {  	s5 =	srdreg.scid;
	s4 =	simm.s32 $0x0;
	s7 =	stileid.u32  }
0x6: {  	s10 =	simm.s32 $0x2;
	s11 =	simm.s32 $0x80;
	s12 =	simm.s32 $0x880  }
0x7: {  	s13 =	simm.s32 $0x1080;
	s14 =	simm.s32 $0x1880;
	s15 =	simm.s32 $0x2080  }
0x8: {  	s16 =	simm.s32 $0x2880;
	s17 =	simm.s32 $0x3080;
	s18 =	simm.s32 $0x3880  }
0x9: {  	s19 =	simm.s32 $0x4080;
	s20 =	simm.s32 $0x4880;
	s21 =	simm.s32 $0x5080  }
0xa: {  	s22 =	simm.s32 $0x5880;
	s23 =	simm.s32 $0x6080;
	s24 =	simm.s32 $0x6880  }
0xb: {  	s25 =	simm.s32 $0x7080;
	s28 =	simm.s32 $0x1;
	s29 =	simm.s32 $0x8080  }
0xc: {  	s30 =	simm.s32 $0x0;
	s5 =	sand.u32 $0x1, s5;
	[smem:$0x7FF] =	sst s4  }
0xd: {  	s7 =	sshll.u32 s7, $0x1;
	s0 =	sadd.s32 $0x100000, s0;
	s31 =	sadd.s32 $0x100000, s3  }
0xe: {  	s6 =	ssub.s32 $0x2, s5;
	_ =	strace $0x80000047;
	s7 =	sor.u32 s5, s7  }
0xf: {  	v2 =	vlaneseq.u32;
	s5 =	sadd.s32 $0x400, s2;
	[dreg:$0x5] =	wrdreg s0;
	s8 =	sshrl.u32 s6, $0x1  }
0x10: {  	vm0 =	vmmov $0xffff;
	v1 =	vshrl.u32 v2, $0x3;
	[dreg:$0x6] =	wrdreg s31;
	p0 =	sne.s32 s7, $0x0;
	s26 =	ssub.s32 s6, s8  }
0x11: {  	v0 =	vand.u32 $0x7, v2;
	v2 =	vor.u32 $0x8, v2;
	v1 =	vmul.u32 $0x8, v1;
	s6 =	sshll.u32 s7, $0xA;
	s9 =	smax.u32 s26, $0x1;
	s26 =	simm.s32 $0x7880  }
.LBB2_1:
0x12: {  	s31 =	simm.s32 $0x0  }
.LBB2_2:
0x13: {  	s0 =	sshll.u32 s31, $0x3  }
0x14: {  	s0 =	sadd.s32 s6, s0  }
0x15: {  	s2 =	sshll.u32 s0, $0x1  }
0x16: {  	s7 =	sadd.s32 s5, s2;
	s2 =	simm.s32 $0x0  }
0x17: {  	[tilespmem:s2], [sflag:$0x2] =	stream.linear.gather [hbm4b:s7+s2], $0x80, $0x38;
	[tilespmem:$0x8980] =	vst v63  }
0x18: {  	_ =	swait.ge [sflag:s10], $0x80  }
0x19: {  	[sflag:s10] =	ssyncset.done $0x0  }
0x1a: {  	[sflag:s10] =	ssyncadd.s32 $0xFFFFFF80  }
0x1b: {  	v3 =	vld [tilespmem:$0x0];
	_ =	sdelay $0x4  }
0x1c: {  	v4 =	vshll.u32 v3, $0x1  }
0x1d: {  	v3 =	vand.u32 $0x7, v3;
	v4 =	vand.u32 $0xFFFFFFF0, v4  }
0x1e: {  	v3 =	vor.u32 v3, v4  }
0x1f: {  	v4 =	vperm.xlane v3, v0;
	_ =	sdelay $0x1  }
0x20: {  	v3 =	vperm.xlane v3, v2;
	v4 =	vadd.s32 v1, v4;
	_ =	sdelay $0x1  }
0x21: {  	v3 =	vadd.s32 v1, v3;
	_ =	sdelay $0x2  }
0x22: {  	[tilespmem:s11], [sflag:$0x1] =	stream.indirect_vreg.gather [hbm4b:s1+s2], $0x80, v4, vm0, $0xb8;
	[tilespmem:$0x8980] =	vst v63  }
0x23: {  	_ = 	snop  }
0x24: {  	[tilespmem:s12], [sflag:$0x1] =	stream.indirect_vreg.gather [hbm4b:s1+s2], $0x80, v3, vm0, $0xb8;
	[tilespmem:$0x8980] =	vst v63  }
0x25: {  	v3 =	vld [tilespmem:$0x10];
	_ =	sdelay $0x4  }
0x26: {  	v57 =	vshll.u32 v3, $0x1  }
0x27: {  	v3 =	vand.u32 $0x7, v3;
	v4 =	vand.u32 $0xFFFFFFF0, v57  }
0x28: {  	v3 =	vor.u32 v3, v4  }
0x29: {  	v4 =	vperm.xlane v3, v0;
	_ =	sdelay $0x1  }
0x2a: {  	v3 =	vperm.xlane v3, v2;
	v4 =	vadd.s32 v1, v4;
	_ =	sdelay $0x1  }
0x2b: {  	v3 =	vadd.s32 v1, v3;
	_ =	sdelay $0x2  }
0x2c: {  	[tilespmem:s13], [sflag:$0x1] =	stream.indirect_vreg.gather [hbm4b:s1+s2], $0x80, v4, vm0, $0xb8;
	[tilespmem:$0x8980] =	vst v63  }
0x2d: {  	_ = 	snop  }
0x2e: {  	[tilespmem:s14], [sflag:$0x1] =	stream.indirect_vreg.gather [hbm4b:s1+s2], $0x80, v3, vm0, $0xb8;
	[tilespmem:$0x8980] =	vst v63  }
0x2f: {  	v3 =	vld [tilespmem:$0x20];
	_ =	sdelay $0x4  }
0x30: {  	v58 =	vshll.u32 v3, $0x1  }
0x31: {  	v3 =	vand.u32 $0x7, v3;
	v4 =	vand.u32 $0xFFFFFFF0, v58  }
0x32: {  	v3 =	vor.u32 v3, v4  }
0x33: {  	v4 =	vperm.xlane v3, v0;
	_ =	sdelay $0x1  }
0x34: {  	v3 =	vperm.xlane v3, v2;
	v4 =	vadd.s32 v1, v4;
	_ =	sdelay $0x1  }
0x35: {  	v3 =	vadd.s32 v1, v3;
	_ =	sdelay $0x2  }
0x36: {  	[tilespmem:s15], [sflag:$0x1] =	stream.indirect_vreg.gather [hbm4b:s1+s2], $0x80, v4, vm0, $0xb8;
	[tilespmem:$0x8980] =	vst v63  }
0x37: {  	_ = 	snop  }
0x38: {  	[tilespmem:s16], [sflag:$0x1] =	stream.indirect_vreg.gather [hbm4b:s1+s2], $0x80, v3, vm0, $0xb8;
	[tilespmem:$0x8980] =	vst v63  }
0x39: {  	v3 =	vld [tilespmem:$0x30];
	_ =	sdelay $0x4  }
0x3a: {  	v59 =	vshll.u32 v3, $0x1  }
0x3b: {  	v3 =	vand.u32 $0x7, v3;
	v4 =	vand.u32 $0xFFFFFFF0, v59  }
0x3c: {  	v3 =	vor.u32 v3, v4  }
0x3d: {  	v4 =	vperm.xlane v3, v0;
	_ =	sdelay $0x1  }
0x3e: {  	v3 =	vperm.xlane v3, v2;
	v4 =	vadd.s32 v1, v4;
	_ =	sdelay $0x1  }
0x3f: {  	v3 =	vadd.s32 v1, v3;
	_ =	sdelay $0x2  }
0x40: {  	[tilespmem:s17], [sflag:$0x1] =	stream.indirect_vreg.gather [hbm4b:s1+s2], $0x80, v4, vm0, $0xb8;
	[tilespmem:$0x8980] =	vst v63  }
0x41: {  	_ = 	snop  }
0x42: {  	[tilespmem:s18], [sflag:$0x1] =	stream.indirect_vreg.gather [hbm4b:s1+s2], $0x80, v3, vm0, $0xb8;
	[tilespmem:$0x8980] =	vst v63  }
0x43: {  	v3 =	vld [tilespmem:$0x40];
	_ =	sdelay $0x4  }
0x44: {  	v60 =	vshll.u32 v3, $0x1  }
0x45: {  	v3 =	vand.u32 $0x7, v3;
	v4 =	vand.u32 $0xFFFFFFF0, v60  }
0x46: {  	v3 =	vor.u32 v3, v4  }
0x47: {  	v4 =	vperm.xlane v3, v0;
	_ =	sdelay $0x1  }
0x48: {  	v3 =	vperm.xlane v3, v2;
	v4 =	vadd.s32 v1, v4;
	_ =	sdelay $0x1  }
0x49: {  	v3 =	vadd.s32 v1, v3;
	_ =	sdelay $0x2  }
0x4a: {  	[tilespmem:s19], [sflag:$0x1] =	stream.indirect_vreg.gather [hbm4b:s1+s2], $0x80, v4, vm0, $0xb8;
	[tilespmem:$0x8980] =	vst v63  }
0x4b: {  	_ = 	snop  }
0x4c: {  	[tilespmem:s20], [sflag:$0x1] =	stream.indirect_vreg.gather [hbm4b:s1+s2], $0x80, v3, vm0, $0xb8;
	[tilespmem:$0x8980] =	vst v63  }
0x4d: {  	v3 =	vld [tilespmem:$0x50];
	_ =	sdelay $0x4  }
0x4e: {  	v61 =	vshll.u32 v3, $0x1  }
0x4f: {  	v3 =	vand.u32 $0x7, v3;
	v4 =	vand.u32 $0xFFFFFFF0, v61  }
0x50: {  	v3 =	vor.u32 v3, v4  }
0x51: {  	v4 =	vperm.xlane v3, v0;
	_ =	sdelay $0x1  }
0x52: {  	v3 =	vperm.xlane v3, v2;
	v4 =	vadd.s32 v1, v4;
	_ =	sdelay $0x1  }
0x53: {  	v3 =	vadd.s32 v1, v3;
	_ =	sdelay $0x2  }
0x54: {  	[tilespmem:s21], [sflag:$0x1] =	stream.indirect_vreg.gather [hbm4b:s1+s2], $0x80, v4, vm0, $0xb8;
	[tilespmem:$0x8980] =	vst v63  }
0x55: {  	_ = 	snop  }
0x56: {  	[tilespmem:s22], [sflag:$0x1] =	stream.indirect_vreg.gather [hbm4b:s1+s2], $0x80, v3, vm0, $0xb8;
	[tilespmem:$0x8980] =	vst v63  }
0x57: {  	v3 =	vld [tilespmem:$0x60];
	_ =	sdelay $0x4  }
0x58: {  	v62 =	vshll.u32 v3, $0x1  }
0x59: {  	v3 =	vand.u32 $0x7, v3;
	v4 =	vand.u32 $0xFFFFFFF0, v62  }
0x5a: {  	v3 =	vor.u32 v3, v4  }
0x5b: {  	v4 =	vperm.xlane v3, v0;
	_ =	sdelay $0x1  }
0x5c: {  	v3 =	vperm.xlane v3, v2;
	v4 =	vadd.s32 v1, v4;
	_ =	sdelay $0x1  }
0x5d: {  	v3 =	vadd.s32 v1, v3;
	_ =	sdelay $0x2  }
0x5e: {  	[tilespmem:s23], [sflag:$0x1] =	stream.indirect_vreg.gather [hbm4b:s1+s2], $0x80, v4, vm0, $0xb8;
	[tilespmem:$0x8980] =	vst v63  }
0x5f: {  	_ = 	snop  }
0x60: {  	[tilespmem:s24], [sflag:$0x1] =	stream.indirect_vreg.gather [hbm4b:s1+s2], $0x80, v3, vm0, $0xb8;
	[tilespmem:$0x8980] =	vst v63  }
0x61: {  	v3 =	vld [tilespmem:$0x70];
	_ =	sdelay $0x4  }
0x62: {  	v63 =	vshll.u32 v3, $0x1  }
0x63: {  	v3 =	vand.u32 $0x7, v3;
	v4 =	vand.u32 $0xFFFFFFF0, v63  }
0x64: {  	v3 =	vor.u32 v3, v4  }
0x65: {  	v4 =	vperm.xlane v3, v0;
	_ =	sdelay $0x1  }
0x66: {  	v3 =	vperm.xlane v3, v2;
	v4 =	vadd.s32 v1, v4;
	_ =	sdelay $0x1  }
0x67: {  	v3 =	vadd.s32 v1, v3;
	_ =	sdelay $0x2  }
0x68: {  	[tilespmem:s25], [sflag:$0x1] =	stream.indirect_vreg.gather [hbm4b:s1+s2], $0x80, v4, vm0, $0xb8;
	[tilespmem:$0x8980] =	vst v63  }
0x69: {  	_ = 	snop  }
0x6a: {  	[tilespmem:s26], [sflag:$0x1] =	stream.indirect_vreg.gather [hbm4b:s1+s2], $0x80, v3, vm0, $0xb8;
	[tilespmem:$0x8980] =	vst v63  }
0x6b: {  	_ =	swait.ge [sflag:s28], $0x8000  }
0x6c: {  	[sflag:s28] =	ssyncset.done $0x0  }
0x6d: {  	[sflag:s28] =	ssyncadd.s32 $0xFFFF8000  }
.LBB2_3:
0x6e: {  	s7 =	sshll.u32 s2, $0xC  }
0x6f: {  	s7 =	sand.u32 $0x3FFFF000, s7  }
0x70: {  	v3 =	vld [tilespmem:s7+$0x80]  }
0x71: {  	v4 =	vld [tilespmem:s7+$0x100];
	_ =	sdelay $0x1  }
0x72: {  	v5 =	vld [tilespmem:s7+$0x180];
	_ =	sdelay $0x1  }
0x73: {  	v6 =	vld [tilespmem:s7+$0x200]  }
0x74: {  	v3 =	vadd.f32 v4, v3  }
0x75: {  	v47 =	vld [tilespmem:s7+$0x280]  }
0x76: {  	v3 =	vadd.f32 v5, v3  }
0x77: {  	v48 =	vld [tilespmem:s7+$0x300]  }
0x78: {  	v3 =	vadd.f32 v6, v3  }
0x79: {  	v49 =	vld [tilespmem:s7+$0x380]  }
0x7a: {  	v3 =	vadd.f32 v47, v3  }
0x7b: {  	v50 =	vld [tilespmem:s7+$0x400]  }
0x7c: {  	v3 =	vadd.f32 v48, v3  }
0x7d: {  	v51 =	vld [tilespmem:s7+$0x880]  }
0x7e: {  	v3 =	vadd.f32 v49, v3  }
0x7f: {  	v52 =	vld [tilespmem:s7+$0x900]  }
0x80: {  	v3 =	vadd.f32 v50, v3  }
0x81: {  	v53 =	vld [tilespmem:s7+$0x980]  }
0x82: {  	v3 =	vadd.f32 v51, v3  }
0x83: {  	v54 =	vld [tilespmem:s7+$0xA00]  }
0x84: {  	v3 =	vadd.f32 v52, v3  }
0x85: {  	v55 =	vld [tilespmem:s7+$0xA80]  }
0x86: {  	v3 =	vadd.f32 v53, v3  }
0x87: {  	v56 =	vld [tilespmem:s7+$0xB00]  }
0x88: {  	v3 =	vadd.f32 v54, v3  }
0x89: {  	v57 =	vld [tilespmem:s7+$0xB80]  }
0x8a: {  	v3 =	vadd.f32 v55, v3  }
0x8b: {  	v58 =	vld [tilespmem:s7+$0xC00]  }
0x8c: {  	v3 =	vadd.f32 v56, v3;
	_ =	sdelay $0x1  }
0x8d: {  	v3 =	vadd.f32 v57, v3;
	_ =	sdelay $0x1  }
0x8e: {  	s8 =	sshll.u32 s2, $0x7;
	v3 =	vadd.f32 v58, v3  }
0x8f: {  	s8 =	sand.u32 $0x3FFFFF80, s8  }
0x90: {  	[tilespmem:s8+$0x8080] =	vst v3  }
0x91: {  	v3 =	vld [tilespmem:s7+$0x90]  }
0x92: {  	v59 =	vld [tilespmem:s7+$0x110];
	_ =	sdelay $0x1  }
0x93: {  	v60 =	vld [tilespmem:s7+$0x190];
	_ =	sdelay $0x1  }
0x94: {  	v61 =	vld [tilespmem:s7+$0x210]  }
0x95: {  	v3 =	vadd.f32 v59, v3  }
0x96: {  	v62 =	vld [tilespmem:s7+$0x290]  }
0x97: {  	v3 =	vadd.f32 v60, v3  }
0x98: {  	v63 =	vld [tilespmem:s7+$0x310]  }
0x99: {  	v3 =	vadd.f32 v61, v3  }
0x9a: {  	v9 =	vld [tilespmem:s7+$0x390]  }
0x9b: {  	v3 =	vadd.f32 v62, v3  }
0x9c: {  	v10 =	vld [tilespmem:s7+$0x410]  }
0x9d: {  	v3 =	vadd.f32 v63, v3  }
0x9e: {  	v11 =	vld [tilespmem:s7+$0x890]  }
0x9f: {  	v3 =	vadd.f32 v9, v3  }
0xa0: {  	v12 =	vld [tilespmem:s7+$0x910]  }
0xa1: {  	v3 =	vadd.f32 v10, v3  }
0xa2: {  	v13 =	vld [tilespmem:s7+$0x990]  }
0xa3: {  	v3 =	vadd.f32 v11, v3  }
0xa4: {  	v14 =	vld [tilespmem:s7+$0xA10]  }
0xa5: {  	v3 =	vadd.f32 v12, v3  }
0xa6: {  	v15 =	vld [tilespmem:s7+$0xA90]  }
0xa7: {  	v3 =	vadd.f32 v13, v3  }
0xa8: {  	v16 =	vld [tilespmem:s7+$0xB10]  }
0xa9: {  	v3 =	vadd.f32 v14, v3  }
0xaa: {  	v17 =	vld [tilespmem:s7+$0xB90]  }
0xab: {  	v3 =	vadd.f32 v15, v3  }
0xac: {  	v18 =	vld [tilespmem:s7+$0xC10]  }
0xad: {  	v3 =	vadd.f32 v16, v3;
	_ =	sdelay $0x1  }
0xae: {  	v3 =	vadd.f32 v17, v3;
	_ =	sdelay $0x1  }
0xaf: {  	v3 =	vadd.f32 v18, v3;
	_ =	sdelay $0x1  }
0xb0: {  	[tilespmem:s8+$0x8090] =	vst v3  }
0xb1: {  	v3 =	vld [tilespmem:s7+$0xA0]  }
0xb2: {  	v19 =	vld [tilespmem:s7+$0x120];
	_ =	sdelay $0x1  }
0xb3: {  	v20 =	vld [tilespmem:s7+$0x1A0];
	_ =	sdelay $0x1  }
0xb4: {  	v21 =	vld [tilespmem:s7+$0x220]  }
0xb5: {  	v3 =	vadd.f32 v19, v3  }
0xb6: {  	v22 =	vld [tilespmem:s7+$0x2A0]  }
0xb7: {  	v3 =	vadd.f32 v20, v3  }
0xb8: {  	v23 =	vld [tilespmem:s7+$0x320]  }
0xb9: {  	v3 =	vadd.f32 v21, v3  }
0xba: {  	v24 =	vld [tilespmem:s7+$0x3A0]  }
0xbb: {  	v3 =	vadd.f32 v22, v3  }
0xbc: {  	v25 =	vld [tilespmem:s7+$0x420]  }
0xbd: {  	v3 =	vadd.f32 v23, v3  }
0xbe: {  	v26 =	vld [tilespmem:s7+$0x8A0]  }
0xbf: {  	v3 =	vadd.f32 v24, v3  }
0xc0: {  	v27 =	vld [tilespmem:s7+$0x920]  }
0xc1: {  	v3 =	vadd.f32 v25, v3  }
0xc2: {  	v28 =	vld [tilespmem:s7+$0x9A0]  }
0xc3: {  	v3 =	vadd.f32 v26, v3  }
0xc4: {  	v29 =	vld [tilespmem:s7+$0xA20]  }
0xc5: {  	v3 =	vadd.f32 v27, v3  }
0xc6: {  	v30 =	vld [tilespmem:s7+$0xAA0]  }
0xc7: {  	v3 =	vadd.f32 v28, v3  }
0xc8: {  	v31 =	vld [tilespmem:s7+$0xB20]  }
0xc9: {  	v3 =	vadd.f32 v29, v3  }
0xca: {  	v32 =	vld [tilespmem:s7+$0xBA0]  }
0xcb: {  	v3 =	vadd.f32 v30, v3  }
0xcc: {  	v33 =	vld [tilespmem:s7+$0xC20]  }
0xcd: {  	v3 =	vadd.f32 v31, v3;
	_ =	sdelay $0x1  }
0xce: {  	v3 =	vadd.f32 v32, v3;
	_ =	sdelay $0x1  }
0xcf: {  	v3 =	vadd.f32 v33, v3;
	_ =	sdelay $0x1  }
0xd0: {  	[tilespmem:s8+$0x80A0] =	vst v3  }
0xd1: {  	v3 =	vld [tilespmem:s7+$0xB0]  }
0xd2: {  	v34 =	vld [tilespmem:s7+$0x130];
	_ =	sdelay $0x1  }
0xd3: {  	v35 =	vld [tilespmem:s7+$0x1B0];
	_ =	sdelay $0x1  }
0xd4: {  	v36 =	vld [tilespmem:s7+$0x230]  }
0xd5: {  	v3 =	vadd.f32 v34, v3  }
0xd6: {  	v37 =	vld [tilespmem:s7+$0x2B0]  }
0xd7: {  	v3 =	vadd.f32 v35, v3  }
0xd8: {  	v38 =	vld [tilespmem:s7+$0x330]  }
0xd9: {  	v3 =	vadd.f32 v36, v3  }
0xda: {  	v39 =	vld [tilespmem:s7+$0x3B0]  }
0xdb: {  	v3 =	vadd.f32 v37, v3  }
0xdc: {  	v40 =	vld [tilespmem:s7+$0x430]  }
0xdd: {  	v3 =	vadd.f32 v38, v3  }
0xde: {  	v41 =	vld [tilespmem:s7+$0x8B0]  }
0xdf: {  	v3 =	vadd.f32 v39, v3  }
0xe0: {  	v42 =	vld [tilespmem:s7+$0x930]  }
0xe1: {  	v3 =	vadd.f32 v40, v3  }
0xe2: {  	v43 =	vld [tilespmem:s7+$0x9B0]  }
0xe3: {  	v3 =	vadd.f32 v41, v3  }
0xe4: {  	v44 =	vld [tilespmem:s7+$0xA30]  }
0xe5: {  	v3 =	vadd.f32 v42, v3  }
0xe6: {  	v45 =	vld [tilespmem:s7+$0xAB0]  }
0xe7: {  	v3 =	vadd.f32 v43, v3  }
0xe8: {  	v46 =	vld [tilespmem:s7+$0xB30]  }
0xe9: {  	v3 =	vadd.f32 v44, v3  }
0xea: {  	v47 =	vld [tilespmem:s7+$0xBB0]  }
0xeb: {  	v3 =	vadd.f32 v45, v3  }
0xec: {  	v48 =	vld [tilespmem:s7+$0xC30]  }
0xed: {  	v3 =	vadd.f32 v46, v3;
	_ =	sdelay $0x1  }
0xee: {  	v3 =	vadd.f32 v47, v3;
	_ =	sdelay $0x1  }
0xef: {  	v3 =	vadd.f32 v48, v3;
	_ =	sdelay $0x1  }
0xf0: {  	[tilespmem:s8+$0x80B0] =	vst v3  }
0xf1: {  	v3 =	vld [tilespmem:s7+$0xC0]  }
0xf2: {  	v49 =	vld [tilespmem:s7+$0x140];
	_ =	sdelay $0x1  }
0xf3: {  	v50 =	vld [tilespmem:s7+$0x1C0];
	_ =	sdelay $0x1  }
0xf4: {  	v51 =	vld [tilespmem:s7+$0x240]  }
0xf5: {  	v3 =	vadd.f32 v49, v3  }
0xf6: {  	v52 =	vld [tilespmem:s7+$0x2C0]  }
0xf7: {  	v3 =	vadd.f32 v50, v3  }
0xf8: {  	v53 =	vld [tilespmem:s7+$0x340]  }
0xf9: {  	v3 =	vadd.f32 v51, v3  }
0xfa: {  	v54 =	vld [tilespmem:s7+$0x3C0]  }
0xfb: {  	v3 =	vadd.f32 v52, v3  }
0xfc: {  	v55 =	vld [tilespmem:s7+$0x440]  }
0xfd: {  	v3 =	vadd.f32 v53, v3  }
0xfe: {  	v56 =	vld [tilespmem:s7+$0x8C0]  }
0xff: {  	v3 =	vadd.f32 v54, v3  }
0x100: {  	v57 =	vld [tilespmem:s7+$0x940]  }
0x101: {  	v3 =	vadd.f32 v55, v3  }
0x102: {  	v58 =	vld [tilespmem:s7+$0x9C0]  }
0x103: {  	v3 =	vadd.f32 v56, v3  }
0x104: {  	v59 =	vld [tilespmem:s7+$0xA40]  }
0x105: {  	v3 =	vadd.f32 v57, v3  }
0x106: {  	v60 =	vld [tilespmem:s7+$0xAC0]  }
0x107: {  	v3 =	vadd.f32 v58, v3  }
0x108: {  	v61 =	vld [tilespmem:s7+$0xB40]  }
0x109: {  	v3 =	vadd.f32 v59, v3  }
0x10a: {  	v62 =	vld [tilespmem:s7+$0xBC0]  }
0x10b: {  	v3 =	vadd.f32 v60, v3  }
0x10c: {  	v63 =	vld [tilespmem:s7+$0xC40]  }
0x10d: {  	v3 =	vadd.f32 v61, v3;
	_ =	sdelay $0x1  }
0x10e: {  	v3 =	vadd.f32 v62, v3;
	_ =	sdelay $0x1  }
0x10f: {  	v3 =	vadd.f32 v63, v3;
	_ =	sdelay $0x1  }
0x110: {  	[tilespmem:s8+$0x80C0] =	vst v3  }
0x111: {  	v3 =	vld [tilespmem:s7+$0xD0]  }
0x112: {  	v9 =	vld [tilespmem:s7+$0x150];
	_ =	sdelay $0x1  }
0x113: {  	v10 =	vld [tilespmem:s7+$0x1D0];
	_ =	sdelay $0x1  }
0x114: {  	v11 =	vld [tilespmem:s7+$0x250]  }
0x115: {  	v3 =	vadd.f32 v9, v3  }
0x116: {  	v12 =	vld [tilespmem:s7+$0x2D0]  }
0x117: {  	v3 =	vadd.f32 v10, v3  }
0x118: {  	v13 =	vld [tilespmem:s7+$0x350]  }
0x119: {  	v3 =	vadd.f32 v11, v3  }
0x11a: {  	v14 =	vld [tilespmem:s7+$0x3D0]  }
0x11b: {  	v3 =	vadd.f32 v12, v3  }
0x11c: {  	v15 =	vld [tilespmem:s7+$0x450]  }
0x11d: {  	v3 =	vadd.f32 v13, v3  }
0x11e: {  	v16 =	vld [tilespmem:s7+$0x8D0]  }
0x11f: {  	v3 =	vadd.f32 v14, v3  }
0x120: {  	v17 =	vld [tilespmem:s7+$0x950]  }
0x121: {  	v3 =	vadd.f32 v15, v3  }
0x122: {  	v18 =	vld [tilespmem:s7+$0x9D0]  }
0x123: {  	v3 =	vadd.f32 v16, v3  }
0x124: {  	v19 =	vld [tilespmem:s7+$0xA50]  }
0x125: {  	v3 =	vadd.f32 v17, v3  }
0x126: {  	v20 =	vld [tilespmem:s7+$0xAD0]  }
0x127: {  	v3 =	vadd.f32 v18, v3  }
0x128: {  	v21 =	vld [tilespmem:s7+$0xB50]  }
0x129: {  	v3 =	vadd.f32 v19, v3  }
0x12a: {  	v22 =	vld [tilespmem:s7+$0xBD0]  }
0x12b: {  	v3 =	vadd.f32 v20, v3  }
0x12c: {  	v23 =	vld [tilespmem:s7+$0xC50]  }
0x12d: {  	v3 =	vadd.f32 v21, v3;
	_ =	sdelay $0x1  }
0x12e: {  	v3 =	vadd.f32 v22, v3;
	_ =	sdelay $0x1  }
0x12f: {  	v3 =	vadd.f32 v23, v3;
	_ =	sdelay $0x1  }
0x130: {  	[tilespmem:s8+$0x80D0] =	vst v3  }
0x131: {  	v3 =	vld [tilespmem:s7+$0xE0]  }
0x132: {  	v24 =	vld [tilespmem:s7+$0x160];
	_ =	sdelay $0x1  }
0x133: {  	v25 =	vld [tilespmem:s7+$0x1E0];
	_ =	sdelay $0x1  }
0x134: {  	v26 =	vld [tilespmem:s7+$0x260]  }
0x135: {  	v3 =	vadd.f32 v24, v3  }
0x136: {  	v27 =	vld [tilespmem:s7+$0x2E0]  }
0x137: {  	v3 =	vadd.f32 v25, v3  }
0x138: {  	v28 =	vld [tilespmem:s7+$0x360]  }
0x139: {  	v3 =	vadd.f32 v26, v3  }
0x13a: {  	v29 =	vld [tilespmem:s7+$0x3E0]  }
0x13b: {  	v3 =	vadd.f32 v27, v3  }
0x13c: {  	v30 =	vld [tilespmem:s7+$0x460]  }
0x13d: {  	v3 =	vadd.f32 v28, v3  }
0x13e: {  	v31 =	vld [tilespmem:s7+$0x8E0]  }
0x13f: {  	v3 =	vadd.f32 v29, v3  }
0x140: {  	v32 =	vld [tilespmem:s7+$0x960]  }
0x141: {  	v3 =	vadd.f32 v30, v3  }
0x142: {  	v33 =	vld [tilespmem:s7+$0x9E0]  }
0x143: {  	v3 =	vadd.f32 v31, v3  }
0x144: {  	v34 =	vld [tilespmem:s7+$0xA60]  }
0x145: {  	v3 =	vadd.f32 v32, v3  }
0x146: {  	v35 =	vld [tilespmem:s7+$0xAE0]  }
0x147: {  	v3 =	vadd.f32 v33, v3  }
0x148: {  	v36 =	vld [tilespmem:s7+$0xB60]  }
0x149: {  	v3 =	vadd.f32 v34, v3  }
0x14a: {  	v37 =	vld [tilespmem:s7+$0xBE0]  }
0x14b: {  	v3 =	vadd.f32 v35, v3  }
0x14c: {  	v38 =	vld [tilespmem:s7+$0xC60]  }
0x14d: {  	v3 =	vadd.f32 v36, v3;
	_ =	sdelay $0x1  }
0x14e: {  	v3 =	vadd.f32 v37, v3;
	_ =	sdelay $0x1  }
0x14f: {  	v3 =	vadd.f32 v38, v3;
	_ =	sdelay $0x1  }
0x150: {  	[tilespmem:s8+$0x80E0] =	vst v3  }
0x151: {  	v3 =	vld [tilespmem:s7+$0xF0]  }
0x152: {  	v39 =	vld [tilespmem:s7+$0x170];
	_ =	sdelay $0x1  }
0x153: {  	v40 =	vld [tilespmem:s7+$0x1F0];
	_ =	sdelay $0x1  }
0x154: {  	v41 =	vld [tilespmem:s7+$0x270]  }
0x155: {  	v3 =	vadd.f32 v39, v3  }
0x156: {  	v42 =	vld [tilespmem:s7+$0x2F0]  }
0x157: {  	v3 =	vadd.f32 v40, v3  }
0x158: {  	v43 =	vld [tilespmem:s7+$0x370]  }
0x159: {  	v3 =	vadd.f32 v41, v3  }
0x15a: {  	v44 =	vld [tilespmem:s7+$0x3F0]  }
0x15b: {  	v3 =	vadd.f32 v42, v3  }
0x15c: {  	v45 =	vld [tilespmem:s7+$0x470]  }
0x15d: {  	v3 =	vadd.f32 v43, v3  }
0x15e: {  	v46 =	vld [tilespmem:s7+$0x8F0]  }
0x15f: {  	v3 =	vadd.f32 v44, v3  }
0x160: {  	v47 =	vld [tilespmem:s7+$0x970]  }
0x161: {  	v3 =	vadd.f32 v45, v3  }
0x162: {  	v48 =	vld [tilespmem:s7+$0x9F0]  }
0x163: {  	v3 =	vadd.f32 v46, v3  }
0x164: {  	v49 =	vld [tilespmem:s7+$0xA70]  }
0x165: {  	v3 =	vadd.f32 v47, v3  }
0x166: {  	v50 =	vld [tilespmem:s7+$0xAF0]  }
0x167: {  	v3 =	vadd.f32 v48, v3  }
0x168: {  	v51 =	vld [tilespmem:s7+$0xB70]  }
0x169: {  	v3 =	vadd.f32 v49, v3  }
0x16a: {  	v52 =	vld [tilespmem:s7+$0xBF0]  }
0x16b: {  	v3 =	vadd.f32 v50, v3  }
0x16c: {  	v53 =	vld [tilespmem:s7+$0xC70]  }
0x16d: {  	v3 =	vadd.f32 v51, v3;
	_ =	sdelay $0x1  }
0x16e: {  	v3 =	vadd.f32 v52, v3;
	_ =	sdelay $0x1  }
0x16f: {  	v3 =	vadd.f32 v53, v3;
	_ =	sdelay $0x1  }
0x170: {  	[tilespmem:s8+$0x80F0] =	vst v3  }
0x171: {  	v3 =	vld [tilespmem:s7+$0x480]  }
0x172: {  	v54 =	vld [tilespmem:s7+$0x500];
	_ =	sdelay $0x1  }
0x173: {  	v55 =	vld [tilespmem:s7+$0x580];
	_ =	sdelay $0x1  }
0x174: {  	v56 =	vld [tilespmem:s7+$0x600]  }
0x175: {  	v3 =	vadd.f32 v54, v3  }
0x176: {  	v57 =	vld [tilespmem:s7+$0x680]  }
0x177: {  	v3 =	vadd.f32 v55, v3  }
0x178: {  	v58 =	vld [tilespmem:s7+$0x700]  }
0x179: {  	v3 =	vadd.f32 v56, v3  }
0x17a: {  	v59 =	vld [tilespmem:s7+$0x780]  }
0x17b: {  	v3 =	vadd.f32 v57, v3  }
0x17c: {  	v60 =	vld [tilespmem:s7+$0x800]  }
0x17d: {  	v3 =	vadd.f32 v58, v3  }
0x17e: {  	v61 =	vld [tilespmem:s7+$0xC80]  }
0x17f: {  	v3 =	vadd.f32 v59, v3  }
0x180: {  	v62 =	vld [tilespmem:s7+$0xD00]  }
0x181: {  	v3 =	vadd.f32 v60, v3  }
0x182: {  	v63 =	vld [tilespmem:s7+$0xD80]  }
0x183: {  	v3 =	vadd.f32 v61, v3  }
0x184: {  	v9 =	vld [tilespmem:s7+$0xE00]  }
0x185: {  	v3 =	vadd.f32 v62, v3  }
0x186: {  	v10 =	vld [tilespmem:s7+$0xE80]  }
0x187: {  	v3 =	vadd.f32 v63, v3  }
0x188: {  	v11 =	vld [tilespmem:s7+$0xF00]  }
0x189: {  	v3 =	vadd.f32 v9, v3  }
0x18a: {  	v12 =	vld [tilespmem:s7+$0xF80]  }
0x18b: {  	v3 =	vadd.f32 v10, v3  }
0x18c: {  	v13 =	vld [tilespmem:s7+$0x1000]  }
0x18d: {  	v3 =	vadd.f32 v11, v3;
	_ =	sdelay $0x1  }
0x18e: {  	v3 =	vadd.f32 v12, v3;
	_ =	sdelay $0x1  }
0x18f: {  	v3 =	vadd.f32 v13, v3;
	_ =	sdelay $0x1  }
0x190: {  	[tilespmem:s8+$0x8480] =	vst v3  }
0x191: {  	v3 =	vld [tilespmem:s7+$0x490]  }
0x192: {  	v14 =	vld [tilespmem:s7+$0x510];
	_ =	sdelay $0x1  }
0x193: {  	v15 =	vld [tilespmem:s7+$0x590];
	_ =	sdelay $0x1  }
0x194: {  	v16 =	vld [tilespmem:s7+$0x610]  }
0x195: {  	v3 =	vadd.f32 v14, v3  }
0x196: {  	v17 =	vld [tilespmem:s7+$0x690]  }
0x197: {  	v3 =	vadd.f32 v15, v3  }
0x198: {  	v18 =	vld [tilespmem:s7+$0x710]  }
0x199: {  	v3 =	vadd.f32 v16, v3  }
0x19a: {  	v19 =	vld [tilespmem:s7+$0x790]  }
0x19b: {  	v3 =	vadd.f32 v17, v3  }
0x19c: {  	v20 =	vld [tilespmem:s7+$0x810]  }
0x19d: {  	v3 =	vadd.f32 v18, v3  }
0x19e: {  	v21 =	vld [tilespmem:s7+$0xC90]  }
0x19f: {  	v3 =	vadd.f32 v19, v3  }
0x1a0: {  	v22 =	vld [tilespmem:s7+$0xD10]  }
0x1a1: {  	v3 =	vadd.f32 v20, v3  }
0x1a2: {  	v23 =	vld [tilespmem:s7+$0xD90]  }
0x1a3: {  	v3 =	vadd.f32 v21, v3  }
0x1a4: {  	v24 =	vld [tilespmem:s7+$0xE10]  }
0x1a5: {  	v3 =	vadd.f32 v22, v3  }
0x1a6: {  	v25 =	vld [tilespmem:s7+$0xE90]  }
0x1a7: {  	v3 =	vadd.f32 v23, v3  }
0x1a8: {  	v26 =	vld [tilespmem:s7+$0xF10]  }
0x1a9: {  	v3 =	vadd.f32 v24, v3  }
0x1aa: {  	v27 =	vld [tilespmem:s7+$0xF90]  }
0x1ab: {  	v3 =	vadd.f32 v25, v3  }
0x1ac: {  	v28 =	vld [tilespmem:s7+$0x1010]  }
0x1ad: {  	v3 =	vadd.f32 v26, v3;
	_ =	sdelay $0x1  }
0x1ae: {  	v3 =	vadd.f32 v27, v3;
	_ =	sdelay $0x1  }
0x1af: {  	v3 =	vadd.f32 v28, v3;
	_ =	sdelay $0x1  }
0x1b0: {  	[tilespmem:s8+$0x8490] =	vst v3  }
0x1b1: {  	v3 =	vld [tilespmem:s7+$0x4A0]  }
0x1b2: {  	v29 =	vld [tilespmem:s7+$0x520];
	_ =	sdelay $0x1  }
0x1b3: {  	v30 =	vld [tilespmem:s7+$0x5A0];
	_ =	sdelay $0x1  }
0x1b4: {  	v31 =	vld [tilespmem:s7+$0x620]  }
0x1b5: {  	v3 =	vadd.f32 v29, v3  }
0x1b6: {  	v32 =	vld [tilespmem:s7+$0x6A0]  }
0x1b7: {  	v3 =	vadd.f32 v30, v3  }
0x1b8: {  	v33 =	vld [tilespmem:s7+$0x720]  }
0x1b9: {  	v3 =	vadd.f32 v31, v3  }
0x1ba: {  	v34 =	vld [tilespmem:s7+$0x7A0]  }
0x1bb: {  	v3 =	vadd.f32 v32, v3  }
0x1bc: {  	v35 =	vld [tilespmem:s7+$0x820]  }
0x1bd: {  	v3 =	vadd.f32 v33, v3  }
0x1be: {  	v36 =	vld [tilespmem:s7+$0xCA0]  }
0x1bf: {  	v3 =	vadd.f32 v34, v3  }
0x1c0: {  	v37 =	vld [tilespmem:s7+$0xD20]  }
0x1c1: {  	v3 =	vadd.f32 v35, v3  }
0x1c2: {  	v38 =	vld [tilespmem:s7+$0xDA0]  }
0x1c3: {  	v3 =	vadd.f32 v36, v3  }
0x1c4: {  	v39 =	vld [tilespmem:s7+$0xE20]  }
0x1c5: {  	v3 =	vadd.f32 v37, v3  }
0x1c6: {  	v40 =	vld [tilespmem:s7+$0xEA0]  }
0x1c7: {  	v3 =	vadd.f32 v38, v3  }
0x1c8: {  	v41 =	vld [tilespmem:s7+$0xF20]  }
0x1c9: {  	v3 =	vadd.f32 v39, v3  }
0x1ca: {  	v42 =	vld [tilespmem:s7+$0xFA0]  }
0x1cb: {  	v3 =	vadd.f32 v40, v3  }
0x1cc: {  	v43 =	vld [tilespmem:s7+$0x1020]  }
0x1cd: {  	v3 =	vadd.f32 v41, v3;
	_ =	sdelay $0x1  }
0x1ce: {  	v3 =	vadd.f32 v42, v3;
	_ =	sdelay $0x1  }
0x1cf: {  	v3 =	vadd.f32 v43, v3;
	_ =	sdelay $0x1  }
0x1d0: {  	[tilespmem:s8+$0x84A0] =	vst v3  }
0x1d1: {  	v3 =	vld [tilespmem:s7+$0x4B0]  }
0x1d2: {  	v44 =	vld [tilespmem:s7+$0x530];
	_ =	sdelay $0x1  }
0x1d3: {  	v45 =	vld [tilespmem:s7+$0x5B0];
	_ =	sdelay $0x1  }
0x1d4: {  	v46 =	vld [tilespmem:s7+$0x630]  }
0x1d5: {  	v3 =	vadd.f32 v44, v3  }
0x1d6: {  	v47 =	vld [tilespmem:s7+$0x6B0]  }
0x1d7: {  	v3 =	vadd.f32 v45, v3  }
0x1d8: {  	v48 =	vld [tilespmem:s7+$0x730]  }
0x1d9: {  	v3 =	vadd.f32 v46, v3  }
0x1da: {  	v49 =	vld [tilespmem:s7+$0x7B0]  }
0x1db: {  	v3 =	vadd.f32 v47, v3  }
0x1dc: {  	v50 =	vld [tilespmem:s7+$0x830]  }
0x1dd: {  	v3 =	vadd.f32 v48, v3  }
0x1de: {  	v51 =	vld [tilespmem:s7+$0xCB0]  }
0x1df: {  	v3 =	vadd.f32 v49, v3  }
0x1e0: {  	v52 =	vld [tilespmem:s7+$0xD30]  }
0x1e1: {  	v3 =	vadd.f32 v50, v3  }
0x1e2: {  	v53 =	vld [tilespmem:s7+$0xDB0]  }
0x1e3: {  	v3 =	vadd.f32 v51, v3  }
0x1e4: {  	v54 =	vld [tilespmem:s7+$0xE30]  }
0x1e5: {  	v3 =	vadd.f32 v52, v3  }
0x1e6: {  	v55 =	vld [tilespmem:s7+$0xEB0]  }
0x1e7: {  	v3 =	vadd.f32 v53, v3  }
0x1e8: {  	v56 =	vld [tilespmem:s7+$0xF30]  }
0x1e9: {  	v3 =	vadd.f32 v54, v3  }
0x1ea: {  	v57 =	vld [tilespmem:s7+$0xFB0]  }
0x1eb: {  	v3 =	vadd.f32 v55, v3  }
0x1ec: {  	v58 =	vld [tilespmem:s7+$0x1030]  }
0x1ed: {  	v3 =	vadd.f32 v56, v3;
	_ =	sdelay $0x1  }
0x1ee: {  	v3 =	vadd.f32 v57, v3;
	_ =	sdelay $0x1  }
0x1ef: {  	v3 =	vadd.f32 v58, v3;
	_ =	sdelay $0x1  }
0x1f0: {  	[tilespmem:s8+$0x84B0] =	vst v3  }
0x1f1: {  	v3 =	vld [tilespmem:s7+$0x4C0]  }
0x1f2: {  	v59 =	vld [tilespmem:s7+$0x540];
	_ =	sdelay $0x1  }
0x1f3: {  	v60 =	vld [tilespmem:s7+$0x5C0];
	_ =	sdelay $0x1  }
0x1f4: {  	v61 =	vld [tilespmem:s7+$0x640]  }
0x1f5: {  	v3 =	vadd.f32 v59, v3  }
0x1f6: {  	v62 =	vld [tilespmem:s7+$0x6C0]  }
0x1f7: {  	v3 =	vadd.f32 v60, v3  }
0x1f8: {  	v63 =	vld [tilespmem:s7+$0x740]  }
0x1f9: {  	v3 =	vadd.f32 v61, v3  }
0x1fa: {  	v9 =	vld [tilespmem:s7+$0x7C0]  }
0x1fb: {  	v3 =	vadd.f32 v62, v3  }
0x1fc: {  	v10 =	vld [tilespmem:s7+$0x840]  }
0x1fd: {  	v3 =	vadd.f32 v63, v3  }
0x1fe: {  	v11 =	vld [tilespmem:s7+$0xCC0]  }
0x1ff: {  	v3 =	vadd.f32 v9, v3  }
0x200: {  	v12 =	vld [tilespmem:s7+$0xD40]  }
0x201: {  	v3 =	vadd.f32 v10, v3  }
0x202: {  	v13 =	vld [tilespmem:s7+$0xDC0]  }
0x203: {  	v3 =	vadd.f32 v11, v3  }
0x204: {  	v14 =	vld [tilespmem:s7+$0xE40]  }
0x205: {  	v3 =	vadd.f32 v12, v3  }
0x206: {  	v15 =	vld [tilespmem:s7+$0xEC0]  }
0x207: {  	v3 =	vadd.f32 v13, v3  }
0x208: {  	v16 =	vld [tilespmem:s7+$0xF40]  }
0x209: {  	v3 =	vadd.f32 v14, v3  }
0x20a: {  	v17 =	vld [tilespmem:s7+$0xFC0]  }
0x20b: {  	v3 =	vadd.f32 v15, v3  }
0x20c: {  	v18 =	vld [tilespmem:s7+$0x1040]  }
0x20d: {  	v3 =	vadd.f32 v16, v3;
	_ =	sdelay $0x1  }
0x20e: {  	v3 =	vadd.f32 v17, v3;
	_ =	sdelay $0x1  }
0x20f: {  	v3 =	vadd.f32 v18, v3;
	_ =	sdelay $0x1  }
0x210: {  	[tilespmem:s8+$0x84C0] =	vst v3  }
0x211: {  	v3 =	vld [tilespmem:s7+$0x4D0]  }
0x212: {  	v19 =	vld [tilespmem:s7+$0x550];
	_ =	sdelay $0x1  }
0x213: {  	v20 =	vld [tilespmem:s7+$0x5D0];
	_ =	sdelay $0x1  }
0x214: {  	v21 =	vld [tilespmem:s7+$0x650]  }
0x215: {  	v3 =	vadd.f32 v19, v3  }
0x216: {  	v22 =	vld [tilespmem:s7+$0x6D0]  }
0x217: {  	v3 =	vadd.f32 v20, v3  }
0x218: {  	v23 =	vld [tilespmem:s7+$0x750]  }
0x219: {  	v3 =	vadd.f32 v21, v3  }
0x21a: {  	v24 =	vld [tilespmem:s7+$0x7D0]  }
0x21b: {  	v3 =	vadd.f32 v22, v3  }
0x21c: {  	v25 =	vld [tilespmem:s7+$0x850]  }
0x21d: {  	v3 =	vadd.f32 v23, v3  }
0x21e: {  	v26 =	vld [tilespmem:s7+$0xCD0]  }
0x21f: {  	v3 =	vadd.f32 v24, v3  }
0x220: {  	v27 =	vld [tilespmem:s7+$0xD50]  }
0x221: {  	v3 =	vadd.f32 v25, v3  }
0x222: {  	v28 =	vld [tilespmem:s7+$0xDD0]  }
0x223: {  	v3 =	vadd.f32 v26, v3  }
0x224: {  	v29 =	vld [tilespmem:s7+$0xE50]  }
0x225: {  	v3 =	vadd.f32 v27, v3  }
0x226: {  	v30 =	vld [tilespmem:s7+$0xED0]  }
0x227: {  	v3 =	vadd.f32 v28, v3  }
0x228: {  	v31 =	vld [tilespmem:s7+$0xF50]  }
0x229: {  	v3 =	vadd.f32 v29, v3  }
0x22a: {  	v32 =	vld [tilespmem:s7+$0xFD0]  }
0x22b: {  	v3 =	vadd.f32 v30, v3  }
0x22c: {  	v33 =	vld [tilespmem:s7+$0x1050]  }
0x22d: {  	v3 =	vadd.f32 v31, v3;
	_ =	sdelay $0x1  }
0x22e: {  	v3 =	vadd.f32 v32, v3;
	_ =	sdelay $0x1  }
0x22f: {  	v3 =	vadd.f32 v33, v3;
	_ =	sdelay $0x1  }
0x230: {  	[tilespmem:s8+$0x84D0] =	vst v3  }
0x231: {  	v3 =	vld [tilespmem:s7+$0x4E0]  }
0x232: {  	v34 =	vld [tilespmem:s7+$0x560];
	_ =	sdelay $0x1  }
0x233: {  	v35 =	vld [tilespmem:s7+$0x5E0];
	_ =	sdelay $0x1  }
0x234: {  	v36 =	vld [tilespmem:s7+$0x660]  }
0x235: {  	v3 =	vadd.f32 v34, v3  }
0x236: {  	v37 =	vld [tilespmem:s7+$0x6E0]  }
0x237: {  	v3 =	vadd.f32 v35, v3  }
0x238: {  	v38 =	vld [tilespmem:s7+$0x760]  }
0x239: {  	v3 =	vadd.f32 v36, v3  }
0x23a: {  	v39 =	vld [tilespmem:s7+$0x7E0]  }
0x23b: {  	v3 =	vadd.f32 v37, v3  }
0x23c: {  	v40 =	vld [tilespmem:s7+$0x860]  }
0x23d: {  	v3 =	vadd.f32 v38, v3  }
0x23e: {  	v41 =	vld [tilespmem:s7+$0xCE0]  }
0x23f: {  	v3 =	vadd.f32 v39, v3  }
0x240: {  	v42 =	vld [tilespmem:s7+$0xD60]  }
0x241: {  	v3 =	vadd.f32 v40, v3  }
0x242: {  	v43 =	vld [tilespmem:s7+$0xDE0]  }
0x243: {  	v3 =	vadd.f32 v41, v3  }
0x244: {  	v44 =	vld [tilespmem:s7+$0xE60]  }
0x245: {  	v3 =	vadd.f32 v42, v3  }
0x246: {  	v45 =	vld [tilespmem:s7+$0xEE0]  }
0x247: {  	v3 =	vadd.f32 v43, v3  }
0x248: {  	v46 =	vld [tilespmem:s7+$0xF60]  }
0x249: {  	v3 =	vadd.f32 v44, v3  }
0x24a: {  	v47 =	vld [tilespmem:s7+$0xFE0]  }
0x24b: {  	v3 =	vadd.f32 v45, v3  }
0x24c: {  	v48 =	vld [tilespmem:s7+$0x1060]  }
0x24d: {  	v3 =	vadd.f32 v46, v3;
	_ =	sdelay $0x1  }
0x24e: {  	v3 =	vadd.f32 v47, v3;
	_ =	sdelay $0x1  }
0x24f: {  	v3 =	vadd.f32 v48, v3;
	_ =	sdelay $0x1  }
0x250: {  	[tilespmem:s8+$0x84E0] =	vst v3  }
0x251: {  	v3 =	vld [tilespmem:s7+$0x4F0]  }
0x252: {  	v49 =	vld [tilespmem:s7+$0x570];
	_ =	sdelay $0x1  }
0x253: {  	v50 =	vld [tilespmem:s7+$0x5F0];
	_ =	sdelay $0x1  }
0x254: {  	v51 =	vld [tilespmem:s7+$0x670]  }
0x255: {  	v3 =	vadd.f32 v49, v3  }
0x256: {  	v52 =	vld [tilespmem:s7+$0x6F0]  }
0x257: {  	v3 =	vadd.f32 v50, v3  }
0x258: {  	v53 =	vld [tilespmem:s7+$0x770]  }
0x259: {  	v3 =	vadd.f32 v51, v3  }
0x25a: {  	v54 =	vld [tilespmem:s7+$0x7F0]  }
0x25b: {  	v3 =	vadd.f32 v52, v3  }
0x25c: {  	v55 =	vld [tilespmem:s7+$0x870]  }
0x25d: {  	v3 =	vadd.f32 v53, v3  }
0x25e: {  	v56 =	vld [tilespmem:s7+$0xCF0]  }
0x25f: {  	v3 =	vadd.f32 v54, v3  }
0x260: {  	v57 =	vld [tilespmem:s7+$0xD70]  }
0x261: {  	v3 =	vadd.f32 v55, v3  }
0x262: {  	v58 =	vld [tilespmem:s7+$0xDF0]  }
0x263: {  	v3 =	vadd.f32 v56, v3  }
0x264: {  	v59 =	vld [tilespmem:s7+$0xE70]  }
0x265: {  	v3 =	vadd.f32 v57, v3  }
0x266: {  	v60 =	vld [tilespmem:s7+$0xEF0]  }
0x267: {  	v3 =	vadd.f32 v58, v3  }
0x268: {  	v61 =	vld [tilespmem:s7+$0xF70]  }
0x269: {  	v3 =	vadd.f32 v59, v3  }
0x26a: {  	v62 =	vld [tilespmem:s7+$0xFF0]  }
0x26b: {  	v3 =	vadd.f32 v60, v3  }
0x26c: {  	v63 =	vld [tilespmem:s7+$0x1070]  }
0x26d: {  	v3 =	vadd.f32 v61, v3  }
0x26e: {  	p1 =	sne.s32 s2, $0x7  }
.Ltmp0:
0x26f: {  	v3 =	vadd.f32 v62, v3;
	(pc) =	sbr.rel @p1 .LBB2_3-.Ltmp0, $3  }
0x270: {  	_ = 	snop  }
0x271: {  	v3 =	vadd.f32 v63, v3;
	_ =	sdelay $0x1  }
0x272: {  	s2 =	sadd.s32 $0x1, s2;
	[tilespmem:s8+$0x84F0] =	vst v3  }
0x273: {  	s31 =	sadd.s32 $0x1, s31  }
0x274: {  	s0 =	sshll.u32 s0, $0x5;
	p1 =	sne.s32 s31, $0x80  }
.Ltmp1:
0x275: {  	s0 =	sadd.s32 s3, s0;
	(pc) =	sbr.rel @p1 .LBB2_2-.Ltmp1, $4  }
0x276: {  	[hbm4b:s0+s4] =	stream.linear.scatter [tilespmem:s29], [sflag:$0x2], $0x800, $0x38;
	[tilespmem:$0x8980] =	vst v63  }
0x277: {  	_ =	swait.ge [sflag:s10], $0x800  }
0x278: {  	[sflag:s10] =	ssyncset.done $0x0  }
0x279: {  	[sflag:s10] =	ssyncadd.s32 $0xFFFFF800  }
0x27a: {  	s0 =	simm.s32 @!p0 $0x80  }
0x27b: {  	s2 =	simm.s32 @!p0 $0x400;
	s7 =	simm.s32 @!p0 $0x8880;
	s8 =	rddreg [dreg:$0x5]  }
0x27c: {  	[tilespmem:s7], [sflag:$0x2] =	stream.strided.gather @!p0 [hbm4b:s8+s0], $0x100, s2, s0, $0x38;
	[tilespmem:$0x8980] =	vst v63  }
0x27d: {  	s8 =	simm.s32 @!p0 $0x2  }
0x27e: {  	s30 =	sadd.s32 $0x1, s30;
	_ =	swait.ge @!p0 [sflag:s8], $0x100  }
0x27f: {  	p1 =	sne.s32 s30, s9;
	[sflag:s8] =	ssyncset.done @!p0 $0x0  }
.Ltmp2:
0x280: {  	s31 =	rddreg [dreg:$0x6];
	[sflag:s8] =	ssyncadd.s32 @!p0 $0xFFFFFF00;
	(pc) =	sbr.rel @p1 .LBB2_1-.Ltmp2, $4  }
0x281: {  	[hbm4b:s31+s0] =	stream.strided.scatter @!p0 [tilespmem:s7], [sflag:$0x2], $0x100, s2, s0, $0x38;
	[tilespmem:$0x8980] =	vst v63  }
0x282: {  	_ =	swait.ge @!p0 [sflag:s8], $0x100  }
0x283: {  	[sflag:s8] =	ssyncset.done @!p0 $0x0  }
0x284: {  	[sflag:s8] =	ssyncadd.s32 @!p0 $0xFFFFFF00  }
0x285: {  	_ =	sfence.sel $0x180000  }
0x286: {  	[bflag:$0x0] =	sbarrier.arrive $0xFFFF  }
0x287: {  	_ =	strace $0x90000047  }
0x288: {  	s0 =	stileid.u32;
	[bflag:$0x2] =	sbarrier.arrive $0xFFFF  }
0x289: {  	p0 =	sne.s32 s0, $0x0;
	s0 =	rddreg [dreg:$0x4]  }
0x28a: {  	s0 =	sadd.s32 @!p0 $0x100000, s0  }
0x28b: {  	[sflag:s0] =	ssyncadd.tile.s32 @!p0 $0x1;
	_ =	shalt  }
.Lfunc_end2:
_tile_overlayer_lowered:
.L_overlay_start_2:
0x28c: {  	(tag) =	ssettag $0x2  }
0x28d: {  	s0 =	rddreg [dreg:$0x0];
	s2 =	stileid.u32  }
0x28e: {  	s1 =	rddreg [dreg:$0x1];
	p0 =	sne.s32 s2, $0x0  }
0x28f: {  	s3 =	rddreg [dreg:$0x2];
	[bflag:$0x3] =	sbarrier.arrive $0xFFFF;
	s2 =	simm.s32 @!p0 $0x1C02  }
0x290: {  	[timem:s3], [sflag:s2] =	dma.local @!p0 [hbm:s0], s1  }
0x291: {  	s0 =	simm.s32 @!p0 $0x2  }
0x292: {  	_ =	swait.ge @!p0 [sflag:s0], s1  }
0x293: {  	s1 =	ssub.s32 @!p0 $0x0, s1;
	[sflag:s0] =	ssyncset.done @!p0 $0x0  }
0x294: {  	[sflag:s0] =	ssyncadd.s32 @!p0 s1  }
0x295: {  	[bflag:$0x3] =	sbarrier.arrive $0xFFFF  }
0x296: {  	_ =	shalt  }

</sc_bundles>
